<compile_context>
chip_gen: v7x
topology: tpu7x:2x2x1
jax: 0.10.2.dev20260603
libtpu: 0.0.44.dev20260713+nightly
codegen_flags: <defaults>
</compile_context>

<pallas_src>
import functools
import math

import jax
import jax.numpy as jnp
from jax import lax
from jax.experimental import pallas as pl
from jax.experimental.pallas import tpu as pltpu
from jax.experimental.pallas import tpu_sc as plsc

NUM_CORES = 2
NUM_SUBCORES = 16
NUM_WORKERS = NUM_CORES * NUM_SUBCORES
CHUNK = 800
PARTS = 4


def _emb_call(n_part, V, D, scale, part):
    n_per_w = n_part // NUM_WORKERS
    n_chunks = n_per_w // CHUNK
    assert n_chunks * CHUNK * NUM_WORKERS == n_part
    assert n_chunks % 2 == 0
    mesh = plsc.VectorSubcoreMesh(core_axis_name="c", subcore_axis_name="s")

    @functools.partial(
        pl.kernel,
        mesh=mesh,
        compiler_params=pltpu.CompilerParams(use_tc_tiling_on_sc=False),
        out_type=jax.ShapeDtypeStruct((n_part, 128), jnp.float32),
        scratch_types=[
            pltpu.VMEM((CHUNK,), jnp.int32),
            pltpu.VMEM((CHUNK,), jnp.int32),
            pltpu.VMEM((CHUNK, D), jnp.float32),
            pltpu.VMEM((CHUNK, D), jnp.float32),
            pltpu.SemaphoreType.DMA,
            pltpu.SemaphoreType.DMA,
            pltpu.SemaphoreType.DMA,
            pltpu.SemaphoreType.DMA,
        ],
    )
    def emb(idx_hbm, w_hbm, out_hbm, idx_a, idx_b, rows_a, rows_b,
            gsem_a, gsem_b, osem_a, osem_b):
        wid = lax.axis_index("s") * NUM_CORES + lax.axis_index("c")
        base = wid * n_per_w
        gbase = part * n_part + base

        def scale_rows(rows_v):
            @pl.loop(0, CHUNK)
            def _(r):
                for c in range(0, D, 16):
                    sl = (r, pl.ds(c, 16))
                    rows_v.at[sl][...] = rows_v.at[sl][...] * scale

        pltpu.sync_copy(idx_hbm.at[pl.ds(gbase, CHUNK)], idx_a)
        ga0 = pltpu.async_copy(w_hbm.at[idx_a], rows_a, gsem_a)

        @pl.loop(0, n_chunks, step=2)
        def _(ci):
            cb_a = base + ci * CHUNK
            cb_b = cb_a + CHUNK
            pltpu.sync_copy(idx_hbm.at[pl.ds(part * n_part + cb_b, CHUNK)],
                            idx_b)
            gb = pltpu.async_copy(w_hbm.at[idx_b], rows_b, gsem_b)
            pltpu.make_async_copy(w_hbm.at[idx_a], rows_a, gsem_a).wait()
            scale_rows(rows_a)
            oa = pltpu.async_copy(
                rows_a, out_hbm.at[pl.ds(cb_a, CHUNK), pl.ds(0, D)], osem_a)

            @pl.when(ci + 2 < n_chunks)
            def _():
                cb_n = base + (ci + 2) * CHUNK
                pltpu.sync_copy(
                    idx_hbm.at[pl.ds(part * n_part + cb_n, CHUNK)], idx_a)
                oa.wait()
                pltpu.async_copy(w_hbm.at[idx_a], rows_a, gsem_a)

            @pl.when(ci + 2 >= n_chunks)
            def _():
                oa.wait()

            gb.wait()
            scale_rows(rows_b)
            pltpu.async_copy(
                rows_b, out_hbm.at[pl.ds(cb_b, CHUNK), pl.ds(0, D)],
                osem_b).wait()

    return emb


def kernel(token_ids, W):
    B, S = token_ids.shape
    V, D = W.shape
    N = B * S
    scale = math.sqrt(D)
    n_part = N // PARTS
    b_part = B // PARTS
    assert n_part * PARTS == N and b_part * PARTS == B

    idx = token_ids.reshape(N).astype(jnp.int32)
    parts = []
    for p in range(PARTS):
        stage = _emb_call(n_part, V, D, scale, p)(idx, W)
        parts.append(stage[:, :D].reshape(b_part, S, D))
    return jnp.concatenate(parts, axis=0)

# --- scband reference (transcript-rebuilt; emitter-appended) ---
"""Pipeline reference for scband-token-embedding-69750268887288 (READ-ONLY COPY).

The authoritative reference and input builder live on the scoring server;
editing this copy changes nothing except your own understanding.
"""

import math
import jax, jax.numpy as jnp
import numpy as np

VOCAB = 1000000
D_MODEL = 32
BATCH = 4096
SEQ = 200


def setup_inputs(seed: int = 0) -> dict:
    key = jax.random.key(seed)
    k_idx, k_w = jax.random.split(key)
    token_ids = jax.random.randint(k_idx, (BATCH, SEQ), 0, VOCAB, dtype=jnp.int64 if jax.config.jax_enable_x64 else jnp.int32)
    limit = math.sqrt(6.0 / (VOCAB + D_MODEL))
    W = (jax.random.uniform(k_w, (VOCAB, D_MODEL), dtype=jnp.float32) * 2.0 - 1.0) * limit
    return {"token_ids": token_ids, "W": W}


def reference(token_ids, W):
    # embedded = self.embedding_weights[token_ids]; return embedded * sqrt(d_model)
    embedded = jnp.take(W, token_ids, axis=0)
    return embedded * math.sqrt(D_MODEL)

if __name__ == "__main__":
    import jax
    _d = setup_inputs()
    print(jax.jit(kernel)(*tuple(_d.values())))

</pallas_src>

<mosaic_0001>
#map = affine_map<(d0, d1) -> (0)>
#map1 = affine_map<(d0, d1) -> (0, 0)>
module attributes {stable_mosaic.version = 14 : i64} {
  func.func @emb(%arg0: i32, %arg1: i32, %arg2: memref<819200xi32, #tpu.memory_space<hbm>>, %arg3: memref<1000000x32xf32, #tpu.memory_space<hbm>>, %arg4: memref<204800x128xf32, #tpu.memory_space<hbm>>, %arg5: memref<800xi32, #tpu.memory_space<vmem>>, %arg6: memref<800xi32, #tpu.memory_space<vmem>>, %arg7: memref<800x32xf32, #tpu.memory_space<vmem>>, %arg8: memref<800x32xf32, #tpu.memory_space<vmem>>, %arg9: memref<!tpu.dma_semaphore, #tpu.memory_space<semaphore_mem>>, %arg10: memref<!tpu.dma_semaphore, #tpu.memory_space<semaphore_mem>>, %arg11: memref<!tpu.dma_semaphore, #tpu.memory_space<semaphore_mem>>, %arg12: memref<!tpu.dma_semaphore, #tpu.memory_space<semaphore_mem>>) attributes {dimension_semantics = [#tpu.dimension_semantics<core_parallel>, #tpu.dimension_semantics<subcore_parallel>], iteration_bounds = array<i64: 2, 16>, scalar_prefetch = 0 : i64, scratch_operands = 8 : i64, tpu.core_type = #tpu.core_type<sc_vector_subcore>, window_params = [{transform_indices = #map}, {transform_indices = #map1}, {transform_indices = #map1}]} {
    %mul3A = arith.constant 2 : i32
    %mul3A_0 = arith.muli %arg1, %mul3A : i32
    %add3A = arith.addi %mul3A_0, %arg0 : i32
    %mul3A_1 = arith.constant 6400 : i32
    %mul3A_2 = arith.muli %add3A, %mul3A_1 : i32
    %add3A_3 = arith.constant 409600 : i32
    %add3A_4 = arith.addi %add3A_3, %mul3A_2 : i32
    "tpu.region"() ({
      %run_scoped3A = tpu.sem_alloc : memref<!tpu.dma_semaphore, #tpu.memory_space<semaphore_mem>>
      %dma_start3A_11 = tpu.memref_slice %arg2[%add3A_4] : memref<819200xi32, #tpu.memory_space<hbm>> -> memref<800xi32, #tpu.memory_space<hbm>>
      %dma_start3A_12 = tpu.memref_slice %arg2[%add3A_4] : memref<819200xi32, #tpu.memory_space<hbm>> -> memref<800xi32, #tpu.memory_space<hbm>>
      tpu.enqueue_dma source(%dma_start3A_12 : memref<800xi32, #tpu.memory_space<hbm>>) target(%arg5 : memref<800xi32, #tpu.memory_space<vmem>>) target_semaphore(%run_scoped3A : memref<!tpu.dma_semaphore, #tpu.memory_space<semaphore_mem>>)
      %dma_wait3A = tpu.memref_slice %arg2[%add3A_4] : memref<819200xi32, #tpu.memory_space<hbm>> -> memref<800xi32, #tpu.memory_space<hbm>>
      %dma_wait3A_13 = tpu.memref_slice %arg2[%add3A_4] : memref<819200xi32, #tpu.memory_space<hbm>> -> memref<800xi32, #tpu.memory_space<hbm>>
      tpu.wait_dma2 semaphore(%run_scoped3A : memref<!tpu.dma_semaphore, #tpu.memory_space<semaphore_mem>>) src(%dma_wait3A_13 : memref<800xi32, #tpu.memory_space<hbm>>) dst(%arg5 : memref<800xi32, #tpu.memory_space<vmem>>)
      tpu.yield
    }) : () -> ()
    %dma_start3A = arith.constant 0 : i32
    %dma_start3A_5 = arith.constant 0 : i32
    %dma_start3A_6 = tpu.memref_slice %arg3[%dma_start3A, %dma_start3A_5] : memref<1000000x32xf32, #tpu.memory_space<hbm>> -> memref<1000000x32xf32, #tpu.memory_space<hbm>>
    tpu.enqueue_indirect_dma source(%dma_start3A_6 : memref<1000000x32xf32, #tpu.memory_space<hbm>>) target(%arg7 : memref<800x32xf32, #tpu.memory_space<vmem>>) offsets(%arg5 : memref<800xi32, #tpu.memory_space<vmem>>) semaphore(%arg9 : memref<!tpu.dma_semaphore, #tpu.memory_space<semaphore_mem>>)
    %scan3A = arith.constant 0 : i32
    %scan3A_7 = arith.constant 4 : i32
    %scan3A_8 = arith.addi %scan3A, %scan3A_7 : i32
    %scan3A_9 = arith.constant 1 : i32
    scf.for %scan3A_11 = %scan3A to %scan3A_8 step %scan3A_9  : i32 {
      %mul3A_12 = arith.constant 2 : i32
      %mul3A_13 = arith.muli %scan3A_11, %mul3A_12 : i32
      %add3A_14 = arith.constant 0 : i32
      %add3A_15 = arith.addi %add3A_14, %mul3A_13 : i32
      %mul3A_16 = arith.constant 800 : i32
      %mul3A_17 = arith.muli %add3A_15, %mul3A_16 : i32
      %add3A_18 = arith.addi %mul3A_2, %mul3A_17 : i32
      %add3A_19 = arith.constant 800 : i32
      %add3A_20 = arith.addi %add3A_18, %add3A_19 : i32
      %add3A_21 = arith.constant 409600 : i32
      %add3A_22 = arith.addi %add3A_21, %add3A_20 : i32
      "tpu.region"() ({
        %run_scoped3A = tpu.sem_alloc : memref<!tpu.dma_semaphore, #tpu.memory_space<semaphore_mem>>
        %dma_start3A_63 = tpu.memref_slice %arg2[%add3A_22] : memref<819200xi32, #tpu.memory_space<hbm>> -> memref<800xi32, #tpu.memory_space<hbm>>
        %dma_start3A_64 = tpu.memref_slice %arg2[%add3A_22] : memref<819200xi32, #tpu.memory_space<hbm>> -> memref<800xi32, #tpu.memory_space<hbm>>
        tpu.enqueue_dma source(%dma_start3A_64 : memref<800xi32, #tpu.memory_space<hbm>>) target(%arg6 : memref<800xi32, #tpu.memory_space<vmem>>) target_semaphore(%run_scoped3A : memref<!tpu.dma_semaphore, #tpu.memory_space<semaphore_mem>>)
        %dma_wait3A_65 = tpu.memref_slice %arg2[%add3A_22] : memref<819200xi32, #tpu.memory_space<hbm>> -> memref<800xi32, #tpu.memory_space<hbm>>
        %dma_wait3A_66 = tpu.memref_slice %arg2[%add3A_22] : memref<819200xi32, #tpu.memory_space<hbm>> -> memref<800xi32, #tpu.memory_space<hbm>>
        tpu.wait_dma2 semaphore(%run_scoped3A : memref<!tpu.dma_semaphore, #tpu.memory_space<semaphore_mem>>) src(%dma_wait3A_66 : memref<800xi32, #tpu.memory_space<hbm>>) dst(%arg6 : memref<800xi32, #tpu.memory_space<vmem>>)
        tpu.yield
      }) : () -> ()
      %dma_start3A_23 = arith.constant 0 : i32
      %dma_start3A_24 = arith.constant 0 : i32
      %dma_start3A_25 = tpu.memref_slice %arg3[%dma_start3A_23, %dma_start3A_24] : memref<1000000x32xf32, #tpu.memory_space<hbm>> -> memref<1000000x32xf32, #tpu.memory_space<hbm>>
      tpu.enqueue_indirect_dma source(%dma_start3A_25 : memref<1000000x32xf32, #tpu.memory_space<hbm>>) target(%arg8 : memref<800x32xf32, #tpu.memory_space<vmem>>) offsets(%arg6 : memref<800xi32, #tpu.memory_space<vmem>>) semaphore(%arg10 : memref<!tpu.dma_semaphore, #tpu.memory_space<semaphore_mem>>)
      %dma_wait3A = arith.constant 0 : i32
      %dma_wait3A_26 = arith.constant 0 : i32
      %dma_wait3A_27 = tpu.memref_slice %arg3[%dma_wait3A, %dma_wait3A_26] : memref<1000000x32xf32, #tpu.memory_space<hbm>> -> memref<1000000x32xf32, #tpu.memory_space<hbm>>
      tpu.wait_indirect_dma semaphore(%arg9 : memref<!tpu.dma_semaphore, #tpu.memory_space<semaphore_mem>>) src(%dma_wait3A_27 : memref<1000000x32xf32, #tpu.memory_space<hbm>>) dst(%arg7 : memref<800x32xf32, #tpu.memory_space<vmem>>)
      %scan3A_28 = arith.constant 0 : i32
      %scan3A_29 = arith.constant 800 : i32
      %scan3A_30 = arith.addi %scan3A_28, %scan3A_29 : i32
      %scan3A_31 = arith.constant 1 : i32
      scf.for %scan3A_63 = %scan3A_28 to %scan3A_30 step %scan3A_31  : i32 {
        %mul3A_64 = arith.constant 1 : i32
        %mul3A_65 = arith.muli %scan3A_63, %mul3A_64 : i32
        %add3A_66 = arith.constant 0 : i32
        %add3A_67 = arith.addi %add3A_66, %mul3A_65 : i32
        %get3A = arith.index_cast %add3A_67 : i32 to index
        %get3A_68 = arith.constant 0 : index
        %get3A_69 = tpu.vector_load %arg7[%get3A, %get3A_68] {strides = array<i32>} : memref<800x32xf32, #tpu.memory_space<vmem>>, vector<1x16xf32>,
        %get3A_70 = vector.shape_cast %get3A_69 : vector<1x16xf32> to vector<16xf32>
        %mul3A_71 = arith.constant 5.65685415 : f32
        %mul3A_72 = vector.broadcast %mul3A_71 : f32 to vector<16xf32>
        %mul3A_73 = arith.mulf %get3A_70, %mul3A_72 : vector<16xf32>
        %swap3A = arith.index_cast %add3A_67 : i32 to index
        %swap3A_74 = arith.constant 0 : index
        %swap3A_75 = tpu.vector_load %arg7[%swap3A, %swap3A_74] {strides = array<i32>} : memref<800x32xf32, #tpu.memory_space<vmem>>, vector<1x16xf32>,
        %swap3A_76 = vector.shape_cast %swap3A_75 : vector<1x16xf32> to vector<16xf32>
        %swap3A_77 = vector.shape_cast %mul3A_73 : vector<16xf32> to vector<1x16xf32>
        tpu.vector_store %arg7[%swap3A, %swap3A_74], %swap3A_77 {strides = array<i32>} : memref<800x32xf32, #tpu.memory_space<vmem>>, vector<1x16xf32>,
        %get3A_78 = arith.index_cast %add3A_67 : i32 to index
        %get3A_79 = arith.constant 16 : index
        %get3A_80 = tpu.vector_load %arg7[%get3A_78, %get3A_79] {strides = array<i32>} : memref<800x32xf32, #tpu.memory_space<vmem>>, vector<1x16xf32>,
        %get3A_81 = vector.shape_cast %get3A_80 : vector<1x16xf32> to vector<16xf32>
        %mul3A_82 = arith.constant 5.65685415 : f32
        %mul3A_83 = vector.broadcast %mul3A_82 : f32 to vector<16xf32>
        %mul3A_84 = arith.mulf %get3A_81, %mul3A_83 : vector<16xf32>
        %swap3A_85 = arith.index_cast %add3A_67 : i32 to index
        %swap3A_86 = arith.constant 16 : index
        %swap3A_87 = tpu.vector_load %arg7[%swap3A_85, %swap3A_86] {strides = array<i32>} : memref<800x32xf32, #tpu.memory_space<vmem>>, vector<1x16xf32>,
        %swap3A_88 = vector.shape_cast %swap3A_87 : vector<1x16xf32> to vector<16xf32>
        %swap3A_89 = vector.shape_cast %mul3A_84 : vector<16xf32> to vector<1x16xf32>
        tpu.vector_store %arg7[%swap3A_85, %swap3A_86], %swap3A_89 {strides = array<i32>} : memref<800x32xf32, #tpu.memory_space<vmem>>, vector<1x16xf32>,
      }
      %scan3A_32 = arith.constant 800 : i32
      %dma_start3A_33 = arith.constant 0 : i32
      %dma_start3A_34 = tpu.memref_slice %arg4[%add3A_18, %dma_start3A_33] : memref<204800x128xf32, #tpu.memory_space<hbm>> -> memref<800x32xf32, #tpu.memory_space<hbm>>
      %dma_start3A_35 = arith.constant 0 : i32
      %dma_start3A_36 = tpu.memref_slice %arg4[%add3A_18, %dma_start3A_35] : memref<204800x128xf32, #tpu.memory_space<hbm>> -> memref<800x32xf32, #tpu.memory_space<hbm>>
      tpu.enqueue_dma source(%arg7 : memref<800x32xf32, #tpu.memory_space<vmem>>) target(%dma_start3A_36 : memref<800x32xf32, #tpu.memory_space<hbm>>) target_semaphore(%arg11 : memref<!tpu.dma_semaphore, #tpu.memory_space<semaphore_mem>>)
      %add3A_37 = arith.constant 2 : i32
      %add3A_38 = arith.addi %add3A_15, %add3A_37 : i32
      %lt3A = arith.constant 8 : i32
      %lt3A_39 = arith.cmpi slt, %add3A_38, %lt3A : i32
      %convert_element_type3A = arith.extui %lt3A_39 : i1 to i32
      %cond3A = arith.constant 0 : i32
      %cond3A_40 = arith.cmpi ne, %convert_element_type3A, %cond3A : i32
      scf.if %cond3A_40 {
        %add3A_63 = arith.constant 2 : i32
        %add3A_64 = arith.addi %add3A_15, %add3A_63 : i32
        %mul3A_65 = arith.constant 800 : i32
        %mul3A_66 = arith.muli %add3A_64, %mul3A_65 : i32
        %add3A_67 = arith.addi %mul3A_2, %mul3A_66 : i32
        %add3A_68 = arith.constant 409600 : i32
        %add3A_69 = arith.addi %add3A_68, %add3A_67 : i32
        "tpu.region"() ({
          %run_scoped3A = tpu.sem_alloc : memref<!tpu.dma_semaphore, #tpu.memory_space<semaphore_mem>>
          %dma_start3A_77 = tpu.memref_slice %arg2[%add3A_69] : memref<819200xi32, #tpu.memory_space<hbm>> -> memref<800xi32, #tpu.memory_space<hbm>>
          %dma_start3A_78 = tpu.memref_slice %arg2[%add3A_69] : memref<819200xi32, #tpu.memory_space<hbm>> -> memref<800xi32, #tpu.memory_space<hbm>>
          tpu.enqueue_dma source(%dma_start3A_78 : memref<800xi32, #tpu.memory_space<hbm>>) target(%arg5 : memref<800xi32, #tpu.memory_space<vmem>>) target_semaphore(%run_scoped3A : memref<!tpu.dma_semaphore, #tpu.memory_space<semaphore_mem>>)
          %dma_wait3A_79 = tpu.memref_slice %arg2[%add3A_69] : memref<819200xi32, #tpu.memory_space<hbm>> -> memref<800xi32, #tpu.memory_space<hbm>>
          %dma_wait3A_80 = tpu.memref_slice %arg2[%add3A_69] : memref<819200xi32, #tpu.memory_space<hbm>> -> memref<800xi32, #tpu.memory_space<hbm>>
          tpu.wait_dma2 semaphore(%run_scoped3A : memref<!tpu.dma_semaphore, #tpu.memory_space<semaphore_mem>>) src(%dma_wait3A_80 : memref<800xi32, #tpu.memory_space<hbm>>) dst(%arg5 : memref<800xi32, #tpu.memory_space<vmem>>)
          tpu.yield
        }) : () -> ()
        %dma_wait3A_70 = arith.constant 0 : i32
        %dma_wait3A_71 = tpu.memref_slice %arg4[%add3A_18, %dma_wait3A_70] : memref<204800x128xf32, #tpu.memory_space<hbm>> -> memref<800x32xf32, #tpu.memory_space<hbm>>
        %dma_wait3A_72 = arith.constant 0 : i32
        %dma_wait3A_73 = tpu.memref_slice %arg4[%add3A_18, %dma_wait3A_72] : memref<204800x128xf32, #tpu.memory_space<hbm>> -> memref<800x32xf32, #tpu.memory_space<hbm>>
        tpu.wait_dma2 semaphore(%arg11 : memref<!tpu.dma_semaphore, #tpu.memory_space<semaphore_mem>>) src(%arg7 : memref<800x32xf32, #tpu.memory_space<vmem>>) dst(%dma_wait3A_73 : memref<800x32xf32, #tpu.memory_space<hbm>>)
        %dma_start3A_74 = arith.constant 0 : i32
        %dma_start3A_75 = arith.constant 0 : i32
        %dma_start3A_76 = tpu.memref_slice %arg3[%dma_start3A_74, %dma_start3A_75] : memref<1000000x32xf32, #tpu.memory_space<hbm>> -> memref<1000000x32xf32, #tpu.memory_space<hbm>>
        tpu.enqueue_indirect_dma source(%dma_start3A_76 : memref<1000000x32xf32, #tpu.memory_space<hbm>>) target(%arg7 : memref<800x32xf32, #tpu.memory_space<vmem>>) offsets(%arg5 : memref<800xi32, #tpu.memory_space<vmem>>) semaphore(%arg9 : memref<!tpu.dma_semaphore, #tpu.memory_space<semaphore_mem>>)
      } else {
      }
      %add3A_41 = arith.constant 2 : i32
      %add3A_42 = arith.addi %add3A_15, %add3A_41 : i32
      %ge3A = arith.constant 8 : i32
      %ge3A_43 = arith.cmpi sge, %add3A_42, %ge3A : i32
      %convert_element_type3A_44 = arith.extui %ge3A_43 : i1 to i32
      %cond3A_45 = arith.constant 0 : i32
      %cond3A_46 = arith.cmpi ne, %convert_element_type3A_44, %cond3A_45 : i32
      scf.if %cond3A_46 {
        %dma_wait3A_63 = arith.constant 0 : i32
        %dma_wait3A_64 = tpu.memref_slice %arg4[%add3A_18, %dma_wait3A_63] : memref<204800x128xf32, #tpu.memory_space<hbm>> -> memref<800x32xf32, #tpu.memory_space<hbm>>
        %dma_wait3A_65 = arith.constant 0 : i32
        %dma_wait3A_66 = tpu.memref_slice %arg4[%add3A_18, %dma_wait3A_65] : memref<204800x128xf32, #tpu.memory_space<hbm>> -> memref<800x32xf32, #tpu.memory_space<hbm>>
        tpu.wait_dma2 semaphore(%arg11 : memref<!tpu.dma_semaphore, #tpu.memory_space<semaphore_mem>>) src(%arg7 : memref<800x32xf32, #tpu.memory_space<vmem>>) dst(%dma_wait3A_66 : memref<800x32xf32, #tpu.memory_space<hbm>>)
      } else {
      }
      %dma_wait3A_47 = arith.constant 0 : i32
      %dma_wait3A_48 = arith.constant 0 : i32
      %dma_wait3A_49 = tpu.memref_slice %arg3[%dma_wait3A_47, %dma_wait3A_48] : memref<1000000x32xf32, #tpu.memory_space<hbm>> -> memref<1000000x32xf32, #tpu.memory_space<hbm>>
      tpu.wait_indirect_dma semaphore(%arg10 : memref<!tpu.dma_semaphore, #tpu.memory_space<semaphore_mem>>) src(%dma_wait3A_49 : memref<1000000x32xf32, #tpu.memory_space<hbm>>) dst(%arg8 : memref<800x32xf32, #tpu.memory_space<vmem>>)
      %scan3A_50 = arith.constant 0 : i32
      %scan3A_51 = arith.constant 800 : i32
      %scan3A_52 = arith.addi %scan3A_50, %scan3A_51 : i32
      %scan3A_53 = arith.constant 1 : i32
      scf.for %scan3A_63 = %scan3A_50 to %scan3A_52 step %scan3A_53  : i32 {
        %mul3A_64 = arith.constant 1 : i32
        %mul3A_65 = arith.muli %scan3A_63, %mul3A_64 : i32
        %add3A_66 = arith.constant 0 : i32
        %add3A_67 = arith.addi %add3A_66, %mul3A_65 : i32
        %get3A = arith.index_cast %add3A_67 : i32 to index
        %get3A_68 = arith.constant 0 : index
        %get3A_69 = tpu.vector_load %arg8[%get3A, %get3A_68] {strides = array<i32>} : memref<800x32xf32, #tpu.memory_space<vmem>>, vector<1x16xf32>,
        %get3A_70 = vector.shape_cast %get3A_69 : vector<1x16xf32> to vector<16xf32>
        %mul3A_71 = arith.constant 5.65685415 : f32
        %mul3A_72 = vector.broadcast %mul3A_71 : f32 to vector<16xf32>
        %mul3A_73 = arith.mulf %get3A_70, %mul3A_72 : vector<16xf32>
        %swap3A = arith.index_cast %add3A_67 : i32 to index
        %swap3A_74 = arith.constant 0 : index
        %swap3A_75 = tpu.vector_load %arg8[%swap3A, %swap3A_74] {strides = array<i32>} : memref<800x32xf32, #tpu.memory_space<vmem>>, vector<1x16xf32>,
        %swap3A_76 = vector.shape_cast %swap3A_75 : vector<1x16xf32> to vector<16xf32>
        %swap3A_77 = vector.shape_cast %mul3A_73 : vector<16xf32> to vector<1x16xf32>
        tpu.vector_store %arg8[%swap3A, %swap3A_74], %swap3A_77 {strides = array<i32>} : memref<800x32xf32, #tpu.memory_space<vmem>>, vector<1x16xf32>,
        %get3A_78 = arith.index_cast %add3A_67 : i32 to index
        %get3A_79 = arith.constant 16 : index
        %get3A_80 = tpu.vector_load %arg8[%get3A_78, %get3A_79] {strides = array<i32>} : memref<800x32xf32, #tpu.memory_space<vmem>>, vector<1x16xf32>,
        %get3A_81 = vector.shape_cast %get3A_80 : vector<1x16xf32> to vector<16xf32>
        %mul3A_82 = arith.constant 5.65685415 : f32
        %mul3A_83 = vector.broadcast %mul3A_82 : f32 to vector<16xf32>
        %mul3A_84 = arith.mulf %get3A_81, %mul3A_83 : vector<16xf32>
        %swap3A_85 = arith.index_cast %add3A_67 : i32 to index
        %swap3A_86 = arith.constant 16 : index
        %swap3A_87 = tpu.vector_load %arg8[%swap3A_85, %swap3A_86] {strides = array<i32>} : memref<800x32xf32, #tpu.memory_space<vmem>>, vector<1x16xf32>,
        %swap3A_88 = vector.shape_cast %swap3A_87 : vector<1x16xf32> to vector<16xf32>
        %swap3A_89 = vector.shape_cast %mul3A_84 : vector<16xf32> to vector<1x16xf32>
        tpu.vector_store %arg8[%swap3A_85, %swap3A_86], %swap3A_89 {strides = array<i32>} : memref<800x32xf32, #tpu.memory_space<vmem>>, vector<1x16xf32>,
      }
      %scan3A_54 = arith.constant 800 : i32
      %dma_start3A_55 = arith.constant 0 : i32
      %dma_start3A_56 = tpu.memref_slice %arg4[%add3A_20, %dma_start3A_55] : memref<204800x128xf32, #tpu.memory_space<hbm>> -> memref<800x32xf32, #tpu.memory_space<hbm>>
      %dma_start3A_57 = arith.constant 0 : i32
      %dma_start3A_58 = tpu.memref_slice %arg4[%add3A_20, %dma_start3A_57] : memref<204800x128xf32, #tpu.memory_space<hbm>> -> memref<800x32xf32, #tpu.memory_space<hbm>>
      tpu.enqueue_dma source(%arg8 : memref<800x32xf32, #tpu.memory_space<vmem>>) target(%dma_start3A_58 : memref<800x32xf32, #tpu.memory_space<hbm>>) target_semaphore(%arg12 : memref<!tpu.dma_semaphore, #tpu.memory_space<semaphore_mem>>)
      %dma_wait3A_59 = arith.constant 0 : i32
      %dma_wait3A_60 = tpu.memref_slice %arg4[%add3A_20, %dma_wait3A_59] : memref<204800x128xf32, #tpu.memory_space<hbm>> -> memref<800x32xf32, #tpu.memory_space<hbm>>
      %dma_wait3A_61 = arith.constant 0 : i32
      %dma_wait3A_62 = tpu.memref_slice %arg4[%add3A_20, %dma_wait3A_61] : memref<204800x128xf32, #tpu.memory_space<hbm>> -> memref<800x32xf32, #tpu.memory_space<hbm>>
      tpu.wait_dma2 semaphore(%arg12 : memref<!tpu.dma_semaphore, #tpu.memory_space<semaphore_mem>>) src(%arg8 : memref<800x32xf32, #tpu.memory_space<vmem>>) dst(%dma_wait3A_62 : memref<800x32xf32, #tpu.memory_space<hbm>>)
    }
    %scan3A_10 = arith.constant 4 : i32
    return
  }
}

#map = affine_map<(d0, d1) -> (0)>
#map1 = affine_map<(d0, d1) -> (0, 0)>
module attributes {stable_mosaic.version = 14 : i64} {
  func.func @emb(%arg0: i32, %arg1: i32, %arg2: memref<819200xi32, #tpu.memory_space<hbm>>, %arg3: memref<1000000x32xf32, #tpu.memory_space<hbm>>, %arg4: memref<204800x128xf32, #tpu.memory_space<hbm>>, %arg5: memref<800xi32, #tpu.memory_space<vmem>>, %arg6: memref<800xi32, #tpu.memory_space<vmem>>, %arg7: memref<800x32xf32, #tpu.memory_space<vmem>>, %arg8: memref<800x32xf32, #tpu.memory_space<vmem>>, %arg9: memref<!tpu.dma_semaphore, #tpu.memory_space<semaphore_mem>>, %arg10: memref<!tpu.dma_semaphore, #tpu.memory_space<semaphore_mem>>, %arg11: memref<!tpu.dma_semaphore, #tpu.memory_space<semaphore_mem>>, %arg12: memref<!tpu.dma_semaphore, #tpu.memory_space<semaphore_mem>>) attributes {dimension_semantics = [#tpu.dimension_semantics<core_parallel>, #tpu.dimension_semantics<subcore_parallel>], iteration_bounds = array<i64: 2, 16>, scalar_prefetch = 0 : i64, scratch_operands = 8 : i64, tpu.core_type = #tpu.core_type<sc_vector_subcore>, window_params = [{transform_indices = #map}, {transform_indices = #map1}, {transform_indices = #map1}]} {
    %mul3A = arith.constant 2 : i32
    %mul3A_0 = arith.muli %arg1, %mul3A : i32
    %add3A = arith.addi %mul3A_0, %arg0 : i32
    %mul3A_1 = arith.constant 6400 : i32
    %mul3A_2 = arith.muli %add3A, %mul3A_1 : i32
    %add3A_3 = arith.constant 204800 : i32
    %add3A_4 = arith.addi %add3A_3, %mul3A_2 : i32
    "tpu.region"() ({
      %run_scoped3A = tpu.sem_alloc : memref<!tpu.dma_semaphore, #tpu.memory_space<semaphore_mem>>
      %dma_start3A_11 = tpu.memref_slice %arg2[%add3A_4] : memref<819200xi32, #tpu.memory_space<hbm>> -> memref<800xi32, #tpu.memory_space<hbm>>
      %dma_start3A_12 = tpu.memref_slice %arg2[%add3A_4] : memref<819200xi32, #tpu.memory_space<hbm>> -> memref<800xi32, #tpu.memory_space<hbm>>
      tpu.enqueue_dma source(%dma_start3A_12 : memref<800xi32, #tpu.memory_space<hbm>>) target(%arg5 : memref<800xi32, #tpu.memory_space<vmem>>) target_semaphore(%run_scoped3A : memref<!tpu.dma_semaphore, #tpu.memory_space<semaphore_mem>>)
      %dma_wait3A = tpu.memref_slice %arg2[%add3A_4] : memref<819200xi32, #tpu.memory_space<hbm>> -> memref<800xi32, #tpu.memory_space<hbm>>
      %dma_wait3A_13 = tpu.memref_slice %arg2[%add3A_4] : memref<819200xi32, #tpu.memory_space<hbm>> -> memref<800xi32, #tpu.memory_space<hbm>>
      tpu.wait_dma2 semaphore(%run_scoped3A : memref<!tpu.dma_semaphore, #tpu.memory_space<semaphore_mem>>) src(%dma_wait3A_13 : memref<800xi32, #tpu.memory_space<hbm>>) dst(%arg5 : memref<800xi32, #tpu.memory_space<vmem>>)
      tpu.yield
    }) : () -> ()
    %dma_start3A = arith.constant 0 : i32
    %dma_start3A_5 = arith.constant 0 : i32
    %dma_start3A_6 = tpu.memref_slice %arg3[%dma_start3A, %dma_start3A_5] : memref<1000000x32xf32, #tpu.memory_space<hbm>> -> memref<1000000x32xf32, #tpu.memory_space<hbm>>
    tpu.enqueue_indirect_dma source(%dma_start3A_6 : memref<1000000x32xf32, #tpu.memory_space<hbm>>) target(%arg7 : memref<800x32xf32, #tpu.memory_space<vmem>>) offsets(%arg5 : memref<800xi32, #tpu.memory_space<vmem>>) semaphore(%arg9 : memref<!tpu.dma_semaphore, #tpu.memory_space<semaphore_mem>>)
    %scan3A = arith.constant 0 : i32
    %scan3A_7 = arith.constant 4 : i32
    %scan3A_8 = arith.addi %scan3A, %scan3A_7 : i32
    %scan3A_9 = arith.constant 1 : i32
    scf.for %scan3A_11 = %scan3A to %scan3A_8 step %scan3A_9  : i32 {
      %mul3A_12 = arith.constant 2 : i32
      %mul3A_13 = arith.muli %scan3A_11, %mul3A_12 : i32
      %add3A_14 = arith.constant 0 : i32
      %add3A_15 = arith.addi %add3A_14, %mul3A_13 : i32
      %mul3A_16 = arith.constant 800 : i32
      %mul3A_17 = arith.muli %add3A_15, %mul3A_16 : i32
      %add3A_18 = arith.addi %mul3A_2, %mul3A_17 : i32
      %add3A_19 = arith.constant 800 : i32
      %add3A_20 = arith.addi %add3A_18, %add3A_19 : i32
      %add3A_21 = arith.constant 204800 : i32
      %add3A_22 = arith.addi %add3A_21, %add3A_20 : i32
      "tpu.region"() ({
        %run_scoped3A = tpu.sem_alloc : memref<!tpu.dma_semaphore, #tpu.memory_space<semaphore_mem>>
        %dma_start3A_63 = tpu.memref_slice %arg2[%add3A_22] : memref<819200xi32, #tpu.memory_space<hbm>> -> memref<800xi32, #tpu.memory_space<hbm>>
        %dma_start3A_64 = tpu.memref_slice %arg2[%add3A_22] : memref<819200xi32, #tpu.memory_space<hbm>> -> memref<800xi32, #tpu.memory_space<hbm>>
        tpu.enqueue_dma source(%dma_start3A_64 : memref<800xi32, #tpu.memory_space<hbm>>) target(%arg6 : memref<800xi32, #tpu.memory_space<vmem>>) target_semaphore(%run_scoped3A : memref<!tpu.dma_semaphore, #tpu.memory_space<semaphore_mem>>)
        %dma_wait3A_65 = tpu.memref_slice %arg2[%add3A_22] : memref<819200xi32, #tpu.memory_space<hbm>> -> memref<800xi32, #tpu.memory_space<hbm>>
        %dma_wait3A_66 = tpu.memref_slice %arg2[%add3A_22] : memref<819200xi32, #tpu.memory_space<hbm>> -> memref<800xi32, #tpu.memory_space<hbm>>
        tpu.wait_dma2 semaphore(%run_scoped3A : memref<!tpu.dma_semaphore, #tpu.memory_space<semaphore_mem>>) src(%dma_wait3A_66 : memref<800xi32, #tpu.memory_space<hbm>>) dst(%arg6 : memref<800xi32, #tpu.memory_space<vmem>>)
        tpu.yield
      }) : () -> ()
      %dma_start3A_23 = arith.constant 0 : i32
      %dma_start3A_24 = arith.constant 0 : i32
      %dma_start3A_25 = tpu.memref_slice %arg3[%dma_start3A_23, %dma_start3A_24] : memref<1000000x32xf32, #tpu.memory_space<hbm>> -> memref<1000000x32xf32, #tpu.memory_space<hbm>>
      tpu.enqueue_indirect_dma source(%dma_start3A_25 : memref<1000000x32xf32, #tpu.memory_space<hbm>>) target(%arg8 : memref<800x32xf32, #tpu.memory_space<vmem>>) offsets(%arg6 : memref<800xi32, #tpu.memory_space<vmem>>) semaphore(%arg10 : memref<!tpu.dma_semaphore, #tpu.memory_space<semaphore_mem>>)
      %dma_wait3A = arith.constant 0 : i32
      %dma_wait3A_26 = arith.constant 0 : i32
      %dma_wait3A_27 = tpu.memref_slice %arg3[%dma_wait3A, %dma_wait3A_26] : memref<1000000x32xf32, #tpu.memory_space<hbm>> -> memref<1000000x32xf32, #tpu.memory_space<hbm>>
      tpu.wait_indirect_dma semaphore(%arg9 : memref<!tpu.dma_semaphore, #tpu.memory_space<semaphore_mem>>) src(%dma_wait3A_27 : memref<1000000x32xf32, #tpu.memory_space<hbm>>) dst(%arg7 : memref<800x32xf32, #tpu.memory_space<vmem>>)
      %scan3A_28 = arith.constant 0 : i32
      %scan3A_29 = arith.constant 800 : i32
      %scan3A_30 = arith.addi %scan3A_28, %scan3A_29 : i32
      %scan3A_31 = arith.constant 1 : i32
      scf.for %scan3A_63 = %scan3A_28 to %scan3A_30 step %scan3A_31  : i32 {
        %mul3A_64 = arith.constant 1 : i32
        %mul3A_65 = arith.muli %scan3A_63, %mul3A_64 : i32
        %add3A_66 = arith.constant 0 : i32
        %add3A_67 = arith.addi %add3A_66, %mul3A_65 : i32
        %get3A = arith.index_cast %add3A_67 : i32 to index
        %get3A_68 = arith.constant 0 : index
        %get3A_69 = tpu.vector_load %arg7[%get3A, %get3A_68] {strides = array<i32>} : memref<800x32xf32, #tpu.memory_space<vmem>>, vector<1x16xf32>,
        %get3A_70 = vector.shape_cast %get3A_69 : vector<1x16xf32> to vector<16xf32>
        %mul3A_71 = arith.constant 5.65685415 : f32
        %mul3A_72 = vector.broadcast %mul3A_71 : f32 to vector<16xf32>
        %mul3A_73 = arith.mulf %get3A_70, %mul3A_72 : vector<16xf32>
        %swap3A = arith.index_cast %add3A_67 : i32 to index
        %swap3A_74 = arith.constant 0 : index
        %swap3A_75 = tpu.vector_load %arg7[%swap3A, %swap3A_74] {strides = array<i32>} : memref<800x32xf32, #tpu.memory_space<vmem>>, vector<1x16xf32>,
        %swap3A_76 = vector.shape_cast %swap3A_75 : vector<1x16xf32> to vector<16xf32>
        %swap3A_77 = vector.shape_cast %mul3A_73 : vector<16xf32> to vector<1x16xf32>
        tpu.vector_store %arg7[%swap3A, %swap3A_74], %swap3A_77 {strides = array<i32>} : memref<800x32xf32, #tpu.memory_space<vmem>>, vector<1x16xf32>,
        %get3A_78 = arith.index_cast %add3A_67 : i32 to index
        %get3A_79 = arith.constant 16 : index
        %get3A_80 = tpu.vector_load %arg7[%get3A_78, %get3A_79] {strides = array<i32>} : memref<800x32xf32, #tpu.memory_space<vmem>>, vector<1x16xf32>,
        %get3A_81 = vector.shape_cast %get3A_80 : vector<1x16xf32> to vector<16xf32>
        %mul3A_82 = arith.constant 5.65685415 : f32
        %mul3A_83 = vector.broadcast %mul3A_82 : f32 to vector<16xf32>
        %mul3A_84 = arith.mulf %get3A_81, %mul3A_83 : vector<16xf32>
        %swap3A_85 = arith.index_cast %add3A_67 : i32 to index
        %swap3A_86 = arith.constant 16 : index
        %swap3A_87 = tpu.vector_load %arg7[%swap3A_85, %swap3A_86] {strides = array<i32>} : memref<800x32xf32, #tpu.memory_space<vmem>>, vector<1x16xf32>,
        %swap3A_88 = vector.shape_cast %swap3A_87 : vector<1x16xf32> to vector<16xf32>
        %swap3A_89 = vector.shape_cast %mul3A_84 : vector<16xf32> to vector<1x16xf32>
        tpu.vector_store %arg7[%swap3A_85, %swap3A_86], %swap3A_89 {strides = array<i32>} : memref<800x32xf32, #tpu.memory_space<vmem>>, vector<1x16xf32>,
      }
      %scan3A_32 = arith.constant 800 : i32
      %dma_start3A_33 = arith.constant 0 : i32
      %dma_start3A_34 = tpu.memref_slice %arg4[%add3A_18, %dma_start3A_33] : memref<204800x128xf32, #tpu.memory_space<hbm>> -> memref<800x32xf32, #tpu.memory_space<hbm>>
      %dma_start3A_35 = arith.constant 0 : i32
      %dma_start3A_36 = tpu.memref_slice %arg4[%add3A_18, %dma_start3A_35] : memref<204800x128xf32, #tpu.memory_space<hbm>> -> memref<800x32xf32, #tpu.memory_space<hbm>>
      tpu.enqueue_dma source(%arg7 : memref<800x32xf32, #tpu.memory_space<vmem>>) target(%dma_start3A_36 : memref<800x32xf32, #tpu.memory_space<hbm>>) target_semaphore(%arg11 : memref<!tpu.dma_semaphore, #tpu.memory_space<semaphore_mem>>)
      %add3A_37 = arith.constant 2 : i32
      %add3A_38 = arith.addi %add3A_15, %add3A_37 : i32
      %lt3A = arith.constant 8 : i32
      %lt3A_39 = arith.cmpi slt, %add3A_38, %lt3A : i32
      %convert_element_type3A = arith.extui %lt3A_39 : i1 to i32
      %cond3A = arith.constant 0 : i32
      %cond3A_40 = arith.cmpi ne, %convert_element_type3A, %cond3A : i32
      scf.if %cond3A_40 {
        %add3A_63 = arith.constant 2 : i32
        %add3A_64 = arith.addi %add3A_15, %add3A_63 : i32
        %mul3A_65 = arith.constant 800 : i32
        %mul3A_66 = arith.muli %add3A_64, %mul3A_65 : i32
        %add3A_67 = arith.addi %mul3A_2, %mul3A_66 : i32
        %add3A_68 = arith.constant 204800 : i32
        %add3A_69 = arith.addi %add3A_68, %add3A_67 : i32
        "tpu.region"() ({
          %run_scoped3A = tpu.sem_alloc : memref<!tpu.dma_semaphore, #tpu.memory_space<semaphore_mem>>
          %dma_start3A_77 = tpu.memref_slice %arg2[%add3A_69] : memref<819200xi32, #tpu.memory_space<hbm>> -> memref<800xi32, #tpu.memory_space<hbm>>
          %dma_start3A_78 = tpu.memref_slice %arg2[%add3A_69] : memref<819200xi32, #tpu.memory_space<hbm>> -> memref<800xi32, #tpu.memory_space<hbm>>
          tpu.enqueue_dma source(%dma_start3A_78 : memref<800xi32, #tpu.memory_space<hbm>>) target(%arg5 : memref<800xi32, #tpu.memory_space<vmem>>) target_semaphore(%run_scoped3A : memref<!tpu.dma_semaphore, #tpu.memory_space<semaphore_mem>>)
          %dma_wait3A_79 = tpu.memref_slice %arg2[%add3A_69] : memref<819200xi32, #tpu.memory_space<hbm>> -> memref<800xi32, #tpu.memory_space<hbm>>
          %dma_wait3A_80 = tpu.memref_slice %arg2[%add3A_69] : memref<819200xi32, #tpu.memory_space<hbm>> -> memref<800xi32, #tpu.memory_space<hbm>>
          tpu.wait_dma2 semaphore(%run_scoped3A : memref<!tpu.dma_semaphore, #tpu.memory_space<semaphore_mem>>) src(%dma_wait3A_80 : memref<800xi32, #tpu.memory_space<hbm>>) dst(%arg5 : memref<800xi32, #tpu.memory_space<vmem>>)
          tpu.yield
        }) : () -> ()
        %dma_wait3A_70 = arith.constant 0 : i32
        %dma_wait3A_71 = tpu.memref_slice %arg4[%add3A_18, %dma_wait3A_70] : memref<204800x128xf32, #tpu.memory_space<hbm>> -> memref<800x32xf32, #tpu.memory_space<hbm>>
        %dma_wait3A_72 = arith.constant 0 : i32
        %dma_wait3A_73 = tpu.memref_slice %arg4[%add3A_18, %dma_wait3A_72] : memref<204800x128xf32, #tpu.memory_space<hbm>> -> memref<800x32xf32, #tpu.memory_space<hbm>>
        tpu.wait_dma2 semaphore(%arg11 : memref<!tpu.dma_semaphore, #tpu.memory_space<semaphore_mem>>) src(%arg7 : memref<800x32xf32, #tpu.memory_space<vmem>>) dst(%dma_wait3A_73 : memref<800x32xf32, #tpu.memory_space<hbm>>)
        %dma_start3A_74 = arith.constant 0 : i32
        %dma_start3A_75 = arith.constant 0 : i32
        %dma_start3A_76 = tpu.memref_slice %arg3[%dma_start3A_74, %dma_start3A_75] : memref<1000000x32xf32, #tpu.memory_space<hbm>> -> memref<1000000x32xf32, #tpu.memory_space<hbm>>
        tpu.enqueue_indirect_dma source(%dma_start3A_76 : memref<1000000x32xf32, #tpu.memory_space<hbm>>) target(%arg7 : memref<800x32xf32, #tpu.memory_space<vmem>>) offsets(%arg5 : memref<800xi32, #tpu.memory_space<vmem>>) semaphore(%arg9 : memref<!tpu.dma_semaphore, #tpu.memory_space<semaphore_mem>>)
      } else {
      }
      %add3A_41 = arith.constant 2 : i32
      %add3A_42 = arith.addi %add3A_15, %add3A_41 : i32
      %ge3A = arith.constant 8 : i32
      %ge3A_43 = arith.cmpi sge, %add3A_42, %ge3A : i32
      %convert_element_type3A_44 = arith.extui %ge3A_43 : i1 to i32
      %cond3A_45 = arith.constant 0 : i32
      %cond3A_46 = arith.cmpi ne, %convert_element_type3A_44, %cond3A_45 : i32
      scf.if %cond3A_46 {
        %dma_wait3A_63 = arith.constant 0 : i32
        %dma_wait3A_64 = tpu.memref_slice %arg4[%add3A_18, %dma_wait3A_63] : memref<204800x128xf32, #tpu.memory_space<hbm>> -> memref<800x32xf32, #tpu.memory_space<hbm>>
        %dma_wait3A_65 = arith.constant 0 : i32
        %dma_wait3A_66 = tpu.memref_slice %arg4[%add3A_18, %dma_wait3A_65] : memref<204800x128xf32, #tpu.memory_space<hbm>> -> memref<800x32xf32, #tpu.memory_space<hbm>>
        tpu.wait_dma2 semaphore(%arg11 : memref<!tpu.dma_semaphore, #tpu.memory_space<semaphore_mem>>) src(%arg7 : memref<800x32xf32, #tpu.memory_space<vmem>>) dst(%dma_wait3A_66 : memref<800x32xf32, #tpu.memory_space<hbm>>)
      } else {
      }
      %dma_wait3A_47 = arith.constant 0 : i32
      %dma_wait3A_48 = arith.constant 0 : i32
      %dma_wait3A_49 = tpu.memref_slice %arg3[%dma_wait3A_47, %dma_wait3A_48] : memref<1000000x32xf32, #tpu.memory_space<hbm>> -> memref<1000000x32xf32, #tpu.memory_space<hbm>>
      tpu.wait_indirect_dma semaphore(%arg10 : memref<!tpu.dma_semaphore, #tpu.memory_space<semaphore_mem>>) src(%dma_wait3A_49 : memref<1000000x32xf32, #tpu.memory_space<hbm>>) dst(%arg8 : memref<800x32xf32, #tpu.memory_space<vmem>>)
      %scan3A_50 = arith.constant 0 : i32
      %scan3A_51 = arith.constant 800 : i32
      %scan3A_52 = arith.addi %scan3A_50, %scan3A_51 : i32
      %scan3A_53 = arith.constant 1 : i32
      scf.for %scan3A_63 = %scan3A_50 to %scan3A_52 step %scan3A_53  : i32 {
        %mul3A_64 = arith.constant 1 : i32
        %mul3A_65 = arith.muli %scan3A_63, %mul3A_64 : i32
        %add3A_66 = arith.constant 0 : i32
        %add3A_67 = arith.addi %add3A_66, %mul3A_65 : i32
        %get3A = arith.index_cast %add3A_67 : i32 to index
        %get3A_68 = arith.constant 0 : index
        %get3A_69 = tpu.vector_load %arg8[%get3A, %get3A_68] {strides = array<i32>} : memref<800x32xf32, #tpu.memory_space<vmem>>, vector<1x16xf32>,
        %get3A_70 = vector.shape_cast %get3A_69 : vector<1x16xf32> to vector<16xf32>
        %mul3A_71 = arith.constant 5.65685415 : f32
        %mul3A_72 = vector.broadcast %mul3A_71 : f32 to vector<16xf32>
        %mul3A_73 = arith.mulf %get3A_70, %mul3A_72 : vector<16xf32>
        %swap3A = arith.index_cast %add3A_67 : i32 to index
        %swap3A_74 = arith.constant 0 : index
        %swap3A_75 = tpu.vector_load %arg8[%swap3A, %swap3A_74] {strides = array<i32>} : memref<800x32xf32, #tpu.memory_space<vmem>>, vector<1x16xf32>,
        %swap3A_76 = vector.shape_cast %swap3A_75 : vector<1x16xf32> to vector<16xf32>
        %swap3A_77 = vector.shape_cast %mul3A_73 : vector<16xf32> to vector<1x16xf32>
        tpu.vector_store %arg8[%swap3A, %swap3A_74], %swap3A_77 {strides = array<i32>} : memref<800x32xf32, #tpu.memory_space<vmem>>, vector<1x16xf32>,
        %get3A_78 = arith.index_cast %add3A_67 : i32 to index
        %get3A_79 = arith.constant 16 : index
        %get3A_80 = tpu.vector_load %arg8[%get3A_78, %get3A_79] {strides = array<i32>} : memref<800x32xf32, #tpu.memory_space<vmem>>, vector<1x16xf32>,
        %get3A_81 = vector.shape_cast %get3A_80 : vector<1x16xf32> to vector<16xf32>
        %mul3A_82 = arith.constant 5.65685415 : f32
        %mul3A_83 = vector.broadcast %mul3A_82 : f32 to vector<16xf32>
        %mul3A_84 = arith.mulf %get3A_81, %mul3A_83 : vector<16xf32>
        %swap3A_85 = arith.index_cast %add3A_67 : i32 to index
        %swap3A_86 = arith.constant 16 : index
        %swap3A_87 = tpu.vector_load %arg8[%swap3A_85, %swap3A_86] {strides = array<i32>} : memref<800x32xf32, #tpu.memory_space<vmem>>, vector<1x16xf32>,
        %swap3A_88 = vector.shape_cast %swap3A_87 : vector<1x16xf32> to vector<16xf32>
        %swap3A_89 = vector.shape_cast %mul3A_84 : vector<16xf32> to vector<1x16xf32>
        tpu.vector_store %arg8[%swap3A_85, %swap3A_86], %swap3A_89 {strides = array<i32>} : memref<800x32xf32, #tpu.memory_space<vmem>>, vector<1x16xf32>,
      }
      %scan3A_54 = arith.constant 800 : i32
      %dma_start3A_55 = arith.constant 0 : i32
      %dma_start3A_56 = tpu.memref_slice %arg4[%add3A_20, %dma_start3A_55] : memref<204800x128xf32, #tpu.memory_space<hbm>> -> memref<800x32xf32, #tpu.memory_space<hbm>>
      %dma_start3A_57 = arith.constant 0 : i32
      %dma_start3A_58 = tpu.memref_slice %arg4[%add3A_20, %dma_start3A_57] : memref<204800x128xf32, #tpu.memory_space<hbm>> -> memref<800x32xf32, #tpu.memory_space<hbm>>
      tpu.enqueue_dma source(%arg8 : memref<800x32xf32, #tpu.memory_space<vmem>>) target(%dma_start3A_58 : memref<800x32xf32, #tpu.memory_space<hbm>>) target_semaphore(%arg12 : memref<!tpu.dma_semaphore, #tpu.memory_space<semaphore_mem>>)
      %dma_wait3A_59 = arith.constant 0 : i32
      %dma_wait3A_60 = tpu.memref_slice %arg4[%add3A_20, %dma_wait3A_59] : memref<204800x128xf32, #tpu.memory_space<hbm>> -> memref<800x32xf32, #tpu.memory_space<hbm>>
      %dma_wait3A_61 = arith.constant 0 : i32
      %dma_wait3A_62 = tpu.memref_slice %arg4[%add3A_20, %dma_wait3A_61] : memref<204800x128xf32, #tpu.memory_space<hbm>> -> memref<800x32xf32, #tpu.memory_space<hbm>>
      tpu.wait_dma2 semaphore(%arg12 : memref<!tpu.dma_semaphore, #tpu.memory_space<semaphore_mem>>) src(%arg8 : memref<800x32xf32, #tpu.memory_space<vmem>>) dst(%dma_wait3A_62 : memref<800x32xf32, #tpu.memory_space<hbm>>)
    }
    %scan3A_10 = arith.constant 4 : i32
    return
  }
}

#map = affine_map<(d0, d1) -> (0)>
#map1 = affine_map<(d0, d1) -> (0, 0)>
module attributes {stable_mosaic.version = 14 : i64} {
  func.func @emb(%arg0: i32, %arg1: i32, %arg2: memref<819200xi32, #tpu.memory_space<hbm>>, %arg3: memref<1000000x32xf32, #tpu.memory_space<hbm>>, %arg4: memref<204800x128xf32, #tpu.memory_space<hbm>>, %arg5: memref<800xi32, #tpu.memory_space<vmem>>, %arg6: memref<800xi32, #tpu.memory_space<vmem>>, %arg7: memref<800x32xf32, #tpu.memory_space<vmem>>, %arg8: memref<800x32xf32, #tpu.memory_space<vmem>>, %arg9: memref<!tpu.dma_semaphore, #tpu.memory_space<semaphore_mem>>, %arg10: memref<!tpu.dma_semaphore, #tpu.memory_space<semaphore_mem>>, %arg11: memref<!tpu.dma_semaphore, #tpu.memory_space<semaphore_mem>>, %arg12: memref<!tpu.dma_semaphore, #tpu.memory_space<semaphore_mem>>) attributes {dimension_semantics = [#tpu.dimension_semantics<core_parallel>, #tpu.dimension_semantics<subcore_parallel>], iteration_bounds = array<i64: 2, 16>, scalar_prefetch = 0 : i64, scratch_operands = 8 : i64, tpu.core_type = #tpu.core_type<sc_vector_subcore>, window_params = [{transform_indices = #map}, {transform_indices = #map1}, {transform_indices = #map1}]} {
    %mul3A = arith.constant 2 : i32
    %mul3A_0 = arith.muli %arg1, %mul3A : i32
    %add3A = arith.addi %mul3A_0, %arg0 : i32
    %mul3A_1 = arith.constant 6400 : i32
    %mul3A_2 = arith.muli %add3A, %mul3A_1 : i32
    %add3A_3 = arith.constant 0 : i32
    %add3A_4 = arith.addi %add3A_3, %mul3A_2 : i32
    "tpu.region"() ({
      %run_scoped3A = tpu.sem_alloc : memref<!tpu.dma_semaphore, #tpu.memory_space<semaphore_mem>>
      %dma_start3A_11 = tpu.memref_slice %arg2[%add3A_4] : memref<819200xi32, #tpu.memory_space<hbm>> -> memref<800xi32, #tpu.memory_space<hbm>>
      %dma_start3A_12 = tpu.memref_slice %arg2[%add3A_4] : memref<819200xi32, #tpu.memory_space<hbm>> -> memref<800xi32, #tpu.memory_space<hbm>>
      tpu.enqueue_dma source(%dma_start3A_12 : memref<800xi32, #tpu.memory_space<hbm>>) target(%arg5 : memref<800xi32, #tpu.memory_space<vmem>>) target_semaphore(%run_scoped3A : memref<!tpu.dma_semaphore, #tpu.memory_space<semaphore_mem>>)
      %dma_wait3A = tpu.memref_slice %arg2[%add3A_4] : memref<819200xi32, #tpu.memory_space<hbm>> -> memref<800xi32, #tpu.memory_space<hbm>>
      %dma_wait3A_13 = tpu.memref_slice %arg2[%add3A_4] : memref<819200xi32, #tpu.memory_space<hbm>> -> memref<800xi32, #tpu.memory_space<hbm>>
      tpu.wait_dma2 semaphore(%run_scoped3A : memref<!tpu.dma_semaphore, #tpu.memory_space<semaphore_mem>>) src(%dma_wait3A_13 : memref<800xi32, #tpu.memory_space<hbm>>) dst(%arg5 : memref<800xi32, #tpu.memory_space<vmem>>)
      tpu.yield
    }) : () -> ()
    %dma_start3A = arith.constant 0 : i32
    %dma_start3A_5 = arith.constant 0 : i32
    %dma_start3A_6 = tpu.memref_slice %arg3[%dma_start3A, %dma_start3A_5] : memref<1000000x32xf32, #tpu.memory_space<hbm>> -> memref<1000000x32xf32, #tpu.memory_space<hbm>>
    tpu.enqueue_indirect_dma source(%dma_start3A_6 : memref<1000000x32xf32, #tpu.memory_space<hbm>>) target(%arg7 : memref<800x32xf32, #tpu.memory_space<vmem>>) offsets(%arg5 : memref<800xi32, #tpu.memory_space<vmem>>) semaphore(%arg9 : memref<!tpu.dma_semaphore, #tpu.memory_space<semaphore_mem>>)
    %scan3A = arith.constant 0 : i32
    %scan3A_7 = arith.constant 4 : i32
    %scan3A_8 = arith.addi %scan3A, %scan3A_7 : i32
    %scan3A_9 = arith.constant 1 : i32
    scf.for %scan3A_11 = %scan3A to %scan3A_8 step %scan3A_9  : i32 {
      %mul3A_12 = arith.constant 2 : i32
      %mul3A_13 = arith.muli %scan3A_11, %mul3A_12 : i32
      %add3A_14 = arith.constant 0 : i32
      %add3A_15 = arith.addi %add3A_14, %mul3A_13 : i32
      %mul3A_16 = arith.constant 800 : i32
      %mul3A_17 = arith.muli %add3A_15, %mul3A_16 : i32
      %add3A_18 = arith.addi %mul3A_2, %mul3A_17 : i32
      %add3A_19 = arith.constant 800 : i32
      %add3A_20 = arith.addi %add3A_18, %add3A_19 : i32
      %add3A_21 = arith.constant 0 : i32
      %add3A_22 = arith.addi %add3A_21, %add3A_20 : i32
      "tpu.region"() ({
        %run_scoped3A = tpu.sem_alloc : memref<!tpu.dma_semaphore, #tpu.memory_space<semaphore_mem>>
        %dma_start3A_63 = tpu.memref_slice %arg2[%add3A_22] : memref<819200xi32, #tpu.memory_space<hbm>> -> memref<800xi32, #tpu.memory_space<hbm>>
        %dma_start3A_64 = tpu.memref_slice %arg2[%add3A_22] : memref<819200xi32, #tpu.memory_space<hbm>> -> memref<800xi32, #tpu.memory_space<hbm>>
        tpu.enqueue_dma source(%dma_start3A_64 : memref<800xi32, #tpu.memory_space<hbm>>) target(%arg6 : memref<800xi32, #tpu.memory_space<vmem>>) target_semaphore(%run_scoped3A : memref<!tpu.dma_semaphore, #tpu.memory_space<semaphore_mem>>)
        %dma_wait3A_65 = tpu.memref_slice %arg2[%add3A_22] : memref<819200xi32, #tpu.memory_space<hbm>> -> memref<800xi32, #tpu.memory_space<hbm>>
        %dma_wait3A_66 = tpu.memref_slice %arg2[%add3A_22] : memref<819200xi32, #tpu.memory_space<hbm>> -> memref<800xi32, #tpu.memory_space<hbm>>
        tpu.wait_dma2 semaphore(%run_scoped3A : memref<!tpu.dma_semaphore, #tpu.memory_space<semaphore_mem>>) src(%dma_wait3A_66 : memref<800xi32, #tpu.memory_space<hbm>>) dst(%arg6 : memref<800xi32, #tpu.memory_space<vmem>>)
        tpu.yield
      }) : () -> ()
      %dma_start3A_23 = arith.constant 0 : i32
      %dma_start3A_24 = arith.constant 0 : i32
      %dma_start3A_25 = tpu.memref_slice %arg3[%dma_start3A_23, %dma_start3A_24] : memref<1000000x32xf32, #tpu.memory_space<hbm>> -> memref<1000000x32xf32, #tpu.memory_space<hbm>>
      tpu.enqueue_indirect_dma source(%dma_start3A_25 : memref<1000000x32xf32, #tpu.memory_space<hbm>>) target(%arg8 : memref<800x32xf32, #tpu.memory_space<vmem>>) offsets(%arg6 : memref<800xi32, #tpu.memory_space<vmem>>) semaphore(%arg10 : memref<!tpu.dma_semaphore, #tpu.memory_space<semaphore_mem>>)
      %dma_wait3A = arith.constant 0 : i32
      %dma_wait3A_26 = arith.constant 0 : i32
      %dma_wait3A_27 = tpu.memref_slice %arg3[%dma_wait3A, %dma_wait3A_26] : memref<1000000x32xf32, #tpu.memory_space<hbm>> -> memref<1000000x32xf32, #tpu.memory_space<hbm>>
      tpu.wait_indirect_dma semaphore(%arg9 : memref<!tpu.dma_semaphore, #tpu.memory_space<semaphore_mem>>) src(%dma_wait3A_27 : memref<1000000x32xf32, #tpu.memory_space<hbm>>) dst(%arg7 : memref<800x32xf32, #tpu.memory_space<vmem>>)
      %scan3A_28 = arith.constant 0 : i32
      %scan3A_29 = arith.constant 800 : i32
      %scan3A_30 = arith.addi %scan3A_28, %scan3A_29 : i32
      %scan3A_31 = arith.constant 1 : i32
      scf.for %scan3A_63 = %scan3A_28 to %scan3A_30 step %scan3A_31  : i32 {
        %mul3A_64 = arith.constant 1 : i32
        %mul3A_65 = arith.muli %scan3A_63, %mul3A_64 : i32
        %add3A_66 = arith.constant 0 : i32
        %add3A_67 = arith.addi %add3A_66, %mul3A_65 : i32
        %get3A = arith.index_cast %add3A_67 : i32 to index
        %get3A_68 = arith.constant 0 : index
        %get3A_69 = tpu.vector_load %arg7[%get3A, %get3A_68] {strides = array<i32>} : memref<800x32xf32, #tpu.memory_space<vmem>>, vector<1x16xf32>,
        %get3A_70 = vector.shape_cast %get3A_69 : vector<1x16xf32> to vector<16xf32>
        %mul3A_71 = arith.constant 5.65685415 : f32
        %mul3A_72 = vector.broadcast %mul3A_71 : f32 to vector<16xf32>
        %mul3A_73 = arith.mulf %get3A_70, %mul3A_72 : vector<16xf32>
        %swap3A = arith.index_cast %add3A_67 : i32 to index
        %swap3A_74 = arith.constant 0 : index
        %swap3A_75 = tpu.vector_load %arg7[%swap3A, %swap3A_74] {strides = array<i32>} : memref<800x32xf32, #tpu.memory_space<vmem>>, vector<1x16xf32>,
        %swap3A_76 = vector.shape_cast %swap3A_75 : vector<1x16xf32> to vector<16xf32>
        %swap3A_77 = vector.shape_cast %mul3A_73 : vector<16xf32> to vector<1x16xf32>
        tpu.vector_store %arg7[%swap3A, %swap3A_74], %swap3A_77 {strides = array<i32>} : memref<800x32xf32, #tpu.memory_space<vmem>>, vector<1x16xf32>,
        %get3A_78 = arith.index_cast %add3A_67 : i32 to index
        %get3A_79 = arith.constant 16 : index
        %get3A_80 = tpu.vector_load %arg7[%get3A_78, %get3A_79] {strides = array<i32>} : memref<800x32xf32, #tpu.memory_space<vmem>>, vector<1x16xf32>,
        %get3A_81 = vector.shape_cast %get3A_80 : vector<1x16xf32> to vector<16xf32>
        %mul3A_82 = arith.constant 5.65685415 : f32
        %mul3A_83 = vector.broadcast %mul3A_82 : f32 to vector<16xf32>
        %mul3A_84 = arith.mulf %get3A_81, %mul3A_83 : vector<16xf32>
        %swap3A_85 = arith.index_cast %add3A_67 : i32 to index
        %swap3A_86 = arith.constant 16 : index
        %swap3A_87 = tpu.vector_load %arg7[%swap3A_85, %swap3A_86] {strides = array<i32>} : memref<800x32xf32, #tpu.memory_space<vmem>>, vector<1x16xf32>,
        %swap3A_88 = vector.shape_cast %swap3A_87 : vector<1x16xf32> to vector<16xf32>
        %swap3A_89 = vector.shape_cast %mul3A_84 : vector<16xf32> to vector<1x16xf32>
        tpu.vector_store %arg7[%swap3A_85, %swap3A_86], %swap3A_89 {strides = array<i32>} : memref<800x32xf32, #tpu.memory_space<vmem>>, vector<1x16xf32>,
      }
      %scan3A_32 = arith.constant 800 : i32
      %dma_start3A_33 = arith.constant 0 : i32
      %dma_start3A_34 = tpu.memref_slice %arg4[%add3A_18, %dma_start3A_33] : memref<204800x128xf32, #tpu.memory_space<hbm>> -> memref<800x32xf32, #tpu.memory_space<hbm>>
      %dma_start3A_35 = arith.constant 0 : i32
      %dma_start3A_36 = tpu.memref_slice %arg4[%add3A_18, %dma_start3A_35] : memref<204800x128xf32, #tpu.memory_space<hbm>> -> memref<800x32xf32, #tpu.memory_space<hbm>>
      tpu.enqueue_dma source(%arg7 : memref<800x32xf32, #tpu.memory_space<vmem>>) target(%dma_start3A_36 : memref<800x32xf32, #tpu.memory_space<hbm>>) target_semaphore(%arg11 : memref<!tpu.dma_semaphore, #tpu.memory_space<semaphore_mem>>)
      %add3A_37 = arith.constant 2 : i32
      %add3A_38 = arith.addi %add3A_15, %add3A_37 : i32
      %lt3A = arith.constant 8 : i32
      %lt3A_39 = arith.cmpi slt, %add3A_38, %lt3A : i32
      %convert_element_type3A = arith.extui %lt3A_39 : i1 to i32
      %cond3A = arith.constant 0 : i32
      %cond3A_40 = arith.cmpi ne, %convert_element_type3A, %cond3A : i32
      scf.if %cond3A_40 {
        %add3A_63 = arith.constant 2 : i32
        %add3A_64 = arith.addi %add3A_15, %add3A_63 : i32
        %mul3A_65 = arith.constant 800 : i32
        %mul3A_66 = arith.muli %add3A_64, %mul3A_65 : i32
        %add3A_67 = arith.addi %mul3A_2, %mul3A_66 : i32
        %add3A_68 = arith.constant 0 : i32
        %add3A_69 = arith.addi %add3A_68, %add3A_67 : i32
        "tpu.region"() ({
          %run_scoped3A = tpu.sem_alloc : memref<!tpu.dma_semaphore, #tpu.memory_space<semaphore_mem>>
          %dma_start3A_77 = tpu.memref_slice %arg2[%add3A_69] : memref<819200xi32, #tpu.memory_space<hbm>> -> memref<800xi32, #tpu.memory_space<hbm>>
          %dma_start3A_78 = tpu.memref_slice %arg2[%add3A_69] : memref<819200xi32, #tpu.memory_space<hbm>> -> memref<800xi32, #tpu.memory_space<hbm>>
          tpu.enqueue_dma source(%dma_start3A_78 : memref<800xi32, #tpu.memory_space<hbm>>) target(%arg5 : memref<800xi32, #tpu.memory_space<vmem>>) target_semaphore(%run_scoped3A : memref<!tpu.dma_semaphore, #tpu.memory_space<semaphore_mem>>)
          %dma_wait3A_79 = tpu.memref_slice %arg2[%add3A_69] : memref<819200xi32, #tpu.memory_space<hbm>> -> memref<800xi32, #tpu.memory_space<hbm>>
          %dma_wait3A_80 = tpu.memref_slice %arg2[%add3A_69] : memref<819200xi32, #tpu.memory_space<hbm>> -> memref<800xi32, #tpu.memory_space<hbm>>
          tpu.wait_dma2 semaphore(%run_scoped3A : memref<!tpu.dma_semaphore, #tpu.memory_space<semaphore_mem>>) src(%dma_wait3A_80 : memref<800xi32, #tpu.memory_space<hbm>>) dst(%arg5 : memref<800xi32, #tpu.memory_space<vmem>>)
          tpu.yield
        }) : () -> ()
        %dma_wait3A_70 = arith.constant 0 : i32
        %dma_wait3A_71 = tpu.memref_slice %arg4[%add3A_18, %dma_wait3A_70] : memref<204800x128xf32, #tpu.memory_space<hbm>> -> memref<800x32xf32, #tpu.memory_space<hbm>>
        %dma_wait3A_72 = arith.constant 0 : i32
        %dma_wait3A_73 = tpu.memref_slice %arg4[%add3A_18, %dma_wait3A_72] : memref<204800x128xf32, #tpu.memory_space<hbm>> -> memref<800x32xf32, #tpu.memory_space<hbm>>
        tpu.wait_dma2 semaphore(%arg11 : memref<!tpu.dma_semaphore, #tpu.memory_space<semaphore_mem>>) src(%arg7 : memref<800x32xf32, #tpu.memory_space<vmem>>) dst(%dma_wait3A_73 : memref<800x32xf32, #tpu.memory_space<hbm>>)
        %dma_start3A_74 = arith.constant 0 : i32
        %dma_start3A_75 = arith.constant 0 : i32
        %dma_start3A_76 = tpu.memref_slice %arg3[%dma_start3A_74, %dma_start3A_75] : memref<1000000x32xf32, #tpu.memory_space<hbm>> -> memref<1000000x32xf32, #tpu.memory_space<hbm>>
        tpu.enqueue_indirect_dma source(%dma_start3A_76 : memref<1000000x32xf32, #tpu.memory_space<hbm>>) target(%arg7 : memref<800x32xf32, #tpu.memory_space<vmem>>) offsets(%arg5 : memref<800xi32, #tpu.memory_space<vmem>>) semaphore(%arg9 : memref<!tpu.dma_semaphore, #tpu.memory_space<semaphore_mem>>)
      } else {
      }
      %add3A_41 = arith.constant 2 : i32
      %add3A_42 = arith.addi %add3A_15, %add3A_41 : i32
      %ge3A = arith.constant 8 : i32
      %ge3A_43 = arith.cmpi sge, %add3A_42, %ge3A : i32
      %convert_element_type3A_44 = arith.extui %ge3A_43 : i1 to i32
      %cond3A_45 = arith.constant 0 : i32
      %cond3A_46 = arith.cmpi ne, %convert_element_type3A_44, %cond3A_45 : i32
      scf.if %cond3A_46 {
        %dma_wait3A_63 = arith.constant 0 : i32
        %dma_wait3A_64 = tpu.memref_slice %arg4[%add3A_18, %dma_wait3A_63] : memref<204800x128xf32, #tpu.memory_space<hbm>> -> memref<800x32xf32, #tpu.memory_space<hbm>>
        %dma_wait3A_65 = arith.constant 0 : i32
        %dma_wait3A_66 = tpu.memref_slice %arg4[%add3A_18, %dma_wait3A_65] : memref<204800x128xf32, #tpu.memory_space<hbm>> -> memref<800x32xf32, #tpu.memory_space<hbm>>
        tpu.wait_dma2 semaphore(%arg11 : memref<!tpu.dma_semaphore, #tpu.memory_space<semaphore_mem>>) src(%arg7 : memref<800x32xf32, #tpu.memory_space<vmem>>) dst(%dma_wait3A_66 : memref<800x32xf32, #tpu.memory_space<hbm>>)
      } else {
      }
      %dma_wait3A_47 = arith.constant 0 : i32
      %dma_wait3A_48 = arith.constant 0 : i32
      %dma_wait3A_49 = tpu.memref_slice %arg3[%dma_wait3A_47, %dma_wait3A_48] : memref<1000000x32xf32, #tpu.memory_space<hbm>> -> memref<1000000x32xf32, #tpu.memory_space<hbm>>
      tpu.wait_indirect_dma semaphore(%arg10 : memref<!tpu.dma_semaphore, #tpu.memory_space<semaphore_mem>>) src(%dma_wait3A_49 : memref<1000000x32xf32, #tpu.memory_space<hbm>>) dst(%arg8 : memref<800x32xf32, #tpu.memory_space<vmem>>)
      %scan3A_50 = arith.constant 0 : i32
      %scan3A_51 = arith.constant 800 : i32
      %scan3A_52 = arith.addi %scan3A_50, %scan3A_51 : i32
      %scan3A_53 = arith.constant 1 : i32
      scf.for %scan3A_63 = %scan3A_50 to %scan3A_52 step %scan3A_53  : i32 {
        %mul3A_64 = arith.constant 1 : i32
        %mul3A_65 = arith.muli %scan3A_63, %mul3A_64 : i32
        %add3A_66 = arith.constant 0 : i32
        %add3A_67 = arith.addi %add3A_66, %mul3A_65 : i32
        %get3A = arith.index_cast %add3A_67 : i32 to index
        %get3A_68 = arith.constant 0 : index
        %get3A_69 = tpu.vector_load %arg8[%get3A, %get3A_68] {strides = array<i32>} : memref<800x32xf32, #tpu.memory_space<vmem>>, vector<1x16xf32>,
        %get3A_70 = vector.shape_cast %get3A_69 : vector<1x16xf32> to vector<16xf32>
        %mul3A_71 = arith.constant 5.65685415 : f32
        %mul3A_72 = vector.broadcast %mul3A_71 : f32 to vector<16xf32>
        %mul3A_73 = arith.mulf %get3A_70, %mul3A_72 : vector<16xf32>
        %swap3A = arith.index_cast %add3A_67 : i32 to index
        %swap3A_74 = arith.constant 0 : index
        %swap3A_75 = tpu.vector_load %arg8[%swap3A, %swap3A_74] {strides = array<i32>} : memref<800x32xf32, #tpu.memory_space<vmem>>, vector<1x16xf32>,
        %swap3A_76 = vector.shape_cast %swap3A_75 : vector<1x16xf32> to vector<16xf32>
        %swap3A_77 = vector.shape_cast %mul3A_73 : vector<16xf32> to vector<1x16xf32>
        tpu.vector_store %arg8[%swap3A, %swap3A_74], %swap3A_77 {strides = array<i32>} : memref<800x32xf32, #tpu.memory_space<vmem>>, vector<1x16xf32>,
        %get3A_78 = arith.index_cast %add3A_67 : i32 to index
        %get3A_79 = arith.constant 16 : index
        %get3A_80 = tpu.vector_load %arg8[%get3A_78, %get3A_79] {strides = array<i32>} : memref<800x32xf32, #tpu.memory_space<vmem>>, vector<1x16xf32>,
        %get3A_81 = vector.shape_cast %get3A_80 : vector<1x16xf32> to vector<16xf32>
        %mul3A_82 = arith.constant 5.65685415 : f32
        %mul3A_83 = vector.broadcast %mul3A_82 : f32 to vector<16xf32>
        %mul3A_84 = arith.mulf %get3A_81, %mul3A_83 : vector<16xf32>
        %swap3A_85 = arith.index_cast %add3A_67 : i32 to index
        %swap3A_86 = arith.constant 16 : index
        %swap3A_87 = tpu.vector_load %arg8[%swap3A_85, %swap3A_86] {strides = array<i32>} : memref<800x32xf32, #tpu.memory_space<vmem>>, vector<1x16xf32>,
        %swap3A_88 = vector.shape_cast %swap3A_87 : vector<1x16xf32> to vector<16xf32>
        %swap3A_89 = vector.shape_cast %mul3A_84 : vector<16xf32> to vector<1x16xf32>
        tpu.vector_store %arg8[%swap3A_85, %swap3A_86], %swap3A_89 {strides = array<i32>} : memref<800x32xf32, #tpu.memory_space<vmem>>, vector<1x16xf32>,
      }
      %scan3A_54 = arith.constant 800 : i32
      %dma_start3A_55 = arith.constant 0 : i32
      %dma_start3A_56 = tpu.memref_slice %arg4[%add3A_20, %dma_start3A_55] : memref<204800x128xf32, #tpu.memory_space<hbm>> -> memref<800x32xf32, #tpu.memory_space<hbm>>
      %dma_start3A_57 = arith.constant 0 : i32
      %dma_start3A_58 = tpu.memref_slice %arg4[%add3A_20, %dma_start3A_57] : memref<204800x128xf32, #tpu.memory_space<hbm>> -> memref<800x32xf32, #tpu.memory_space<hbm>>
      tpu.enqueue_dma source(%arg8 : memref<800x32xf32, #tpu.memory_space<vmem>>) target(%dma_start3A_58 : memref<800x32xf32, #tpu.memory_space<hbm>>) target_semaphore(%arg12 : memref<!tpu.dma_semaphore, #tpu.memory_space<semaphore_mem>>)
      %dma_wait3A_59 = arith.constant 0 : i32
      %dma_wait3A_60 = tpu.memref_slice %arg4[%add3A_20, %dma_wait3A_59] : memref<204800x128xf32, #tpu.memory_space<hbm>> -> memref<800x32xf32, #tpu.memory_space<hbm>>
      %dma_wait3A_61 = arith.constant 0 : i32
      %dma_wait3A_62 = tpu.memref_slice %arg4[%add3A_20, %dma_wait3A_61] : memref<204800x128xf32, #tpu.memory_space<hbm>> -> memref<800x32xf32, #tpu.memory_space<hbm>>
      tpu.wait_dma2 semaphore(%arg12 : memref<!tpu.dma_semaphore, #tpu.memory_space<semaphore_mem>>) src(%arg8 : memref<800x32xf32, #tpu.memory_space<vmem>>) dst(%dma_wait3A_62 : memref<800x32xf32, #tpu.memory_space<hbm>>)
    }
    %scan3A_10 = arith.constant 4 : i32
    return
  }
}

#map = affine_map<(d0, d1) -> (0)>
#map1 = affine_map<(d0, d1) -> (0, 0)>
module attributes {stable_mosaic.version = 14 : i64} {
  func.func @emb(%arg0: i32, %arg1: i32, %arg2: memref<819200xi32, #tpu.memory_space<hbm>>, %arg3: memref<1000000x32xf32, #tpu.memory_space<hbm>>, %arg4: memref<204800x128xf32, #tpu.memory_space<hbm>>, %arg5: memref<800xi32, #tpu.memory_space<vmem>>, %arg6: memref<800xi32, #tpu.memory_space<vmem>>, %arg7: memref<800x32xf32, #tpu.memory_space<vmem>>, %arg8: memref<800x32xf32, #tpu.memory_space<vmem>>, %arg9: memref<!tpu.dma_semaphore, #tpu.memory_space<semaphore_mem>>, %arg10: memref<!tpu.dma_semaphore, #tpu.memory_space<semaphore_mem>>, %arg11: memref<!tpu.dma_semaphore, #tpu.memory_space<semaphore_mem>>, %arg12: memref<!tpu.dma_semaphore, #tpu.memory_space<semaphore_mem>>) attributes {dimension_semantics = [#tpu.dimension_semantics<core_parallel>, #tpu.dimension_semantics<subcore_parallel>], iteration_bounds = array<i64: 2, 16>, scalar_prefetch = 0 : i64, scratch_operands = 8 : i64, tpu.core_type = #tpu.core_type<sc_vector_subcore>, window_params = [{transform_indices = #map}, {transform_indices = #map1}, {transform_indices = #map1}]} {
    %mul3A = arith.constant 2 : i32
    %mul3A_0 = arith.muli %arg1, %mul3A : i32
    %add3A = arith.addi %mul3A_0, %arg0 : i32
    %mul3A_1 = arith.constant 6400 : i32
    %mul3A_2 = arith.muli %add3A, %mul3A_1 : i32
    %add3A_3 = arith.constant 614400 : i32
    %add3A_4 = arith.addi %add3A_3, %mul3A_2 : i32
    "tpu.region"() ({
      %run_scoped3A = tpu.sem_alloc : memref<!tpu.dma_semaphore, #tpu.memory_space<semaphore_mem>>
      %dma_start3A_11 = tpu.memref_slice %arg2[%add3A_4] : memref<819200xi32, #tpu.memory_space<hbm>> -> memref<800xi32, #tpu.memory_space<hbm>>
      %dma_start3A_12 = tpu.memref_slice %arg2[%add3A_4] : memref<819200xi32, #tpu.memory_space<hbm>> -> memref<800xi32, #tpu.memory_space<hbm>>
      tpu.enqueue_dma source(%dma_start3A_12 : memref<800xi32, #tpu.memory_space<hbm>>) target(%arg5 : memref<800xi32, #tpu.memory_space<vmem>>) target_semaphore(%run_scoped3A : memref<!tpu.dma_semaphore, #tpu.memory_space<semaphore_mem>>)
      %dma_wait3A = tpu.memref_slice %arg2[%add3A_4] : memref<819200xi32, #tpu.memory_space<hbm>> -> memref<800xi32, #tpu.memory_space<hbm>>
      %dma_wait3A_13 = tpu.memref_slice %arg2[%add3A_4] : memref<819200xi32, #tpu.memory_space<hbm>> -> memref<800xi32, #tpu.memory_space<hbm>>
      tpu.wait_dma2 semaphore(%run_scoped3A : memref<!tpu.dma_semaphore, #tpu.memory_space<semaphore_mem>>) src(%dma_wait3A_13 : memref<800xi32, #tpu.memory_space<hbm>>) dst(%arg5 : memref<800xi32, #tpu.memory_space<vmem>>)
      tpu.yield
    }) : () -> ()
    %dma_start3A = arith.constant 0 : i32
    %dma_start3A_5 = arith.constant 0 : i32
    %dma_start3A_6 = tpu.memref_slice %arg3[%dma_start3A, %dma_start3A_5] : memref<1000000x32xf32, #tpu.memory_space<hbm>> -> memref<1000000x32xf32, #tpu.memory_space<hbm>>
    tpu.enqueue_indirect_dma source(%dma_start3A_6 : memref<1000000x32xf32, #tpu.memory_space<hbm>>) target(%arg7 : memref<800x32xf32, #tpu.memory_space<vmem>>) offsets(%arg5 : memref<800xi32, #tpu.memory_space<vmem>>) semaphore(%arg9 : memref<!tpu.dma_semaphore, #tpu.memory_space<semaphore_mem>>)
    %scan3A = arith.constant 0 : i32
    %scan3A_7 = arith.constant 4 : i32
    %scan3A_8 = arith.addi %scan3A, %scan3A_7 : i32
    %scan3A_9 = arith.constant 1 : i32
    scf.for %scan3A_11 = %scan3A to %scan3A_8 step %scan3A_9  : i32 {
      %mul3A_12 = arith.constant 2 : i32
      %mul3A_13 = arith.muli %scan3A_11, %mul3A_12 : i32
      %add3A_14 = arith.constant 0 : i32
      %add3A_15 = arith.addi %add3A_14, %mul3A_13 : i32
      %mul3A_16 = arith.constant 800 : i32
      %mul3A_17 = arith.muli %add3A_15, %mul3A_16 : i32
      %add3A_18 = arith.addi %mul3A_2, %mul3A_17 : i32
      %add3A_19 = arith.constant 800 : i32
      %add3A_20 = arith.addi %add3A_18, %add3A_19 : i32
      %add3A_21 = arith.constant 614400 : i32
      %add3A_22 = arith.addi %add3A_21, %add3A_20 : i32
      "tpu.region"() ({
        %run_scoped3A = tpu.sem_alloc : memref<!tpu.dma_semaphore, #tpu.memory_space<semaphore_mem>>
        %dma_start3A_63 = tpu.memref_slice %arg2[%add3A_22] : memref<819200xi32, #tpu.memory_space<hbm>> -> memref<800xi32, #tpu.memory_space<hbm>>
        %dma_start3A_64 = tpu.memref_slice %arg2[%add3A_22] : memref<819200xi32, #tpu.memory_space<hbm>> -> memref<800xi32, #tpu.memory_space<hbm>>
        tpu.enqueue_dma source(%dma_start3A_64 : memref<800xi32, #tpu.memory_space<hbm>>) target(%arg6 : memref<800xi32, #tpu.memory_space<vmem>>) target_semaphore(%run_scoped3A : memref<!tpu.dma_semaphore, #tpu.memory_space<semaphore_mem>>)
        %dma_wait3A_65 = tpu.memref_slice %arg2[%add3A_22] : memref<819200xi32, #tpu.memory_space<hbm>> -> memref<800xi32, #tpu.memory_space<hbm>>
        %dma_wait3A_66 = tpu.memref_slice %arg2[%add3A_22] : memref<819200xi32, #tpu.memory_space<hbm>> -> memref<800xi32, #tpu.memory_space<hbm>>
        tpu.wait_dma2 semaphore(%run_scoped3A : memref<!tpu.dma_semaphore, #tpu.memory_space<semaphore_mem>>) src(%dma_wait3A_66 : memref<800xi32, #tpu.memory_space<hbm>>) dst(%arg6 : memref<800xi32, #tpu.memory_space<vmem>>)
        tpu.yield
      }) : () -> ()
      %dma_start3A_23 = arith.constant 0 : i32
      %dma_start3A_24 = arith.constant 0 : i32
      %dma_start3A_25 = tpu.memref_slice %arg3[%dma_start3A_23, %dma_start3A_24] : memref<1000000x32xf32, #tpu.memory_space<hbm>> -> memref<1000000x32xf32, #tpu.memory_space<hbm>>
      tpu.enqueue_indirect_dma source(%dma_start3A_25 : memref<1000000x32xf32, #tpu.memory_space<hbm>>) target(%arg8 : memref<800x32xf32, #tpu.memory_space<vmem>>) offsets(%arg6 : memref<800xi32, #tpu.memory_space<vmem>>) semaphore(%arg10 : memref<!tpu.dma_semaphore, #tpu.memory_space<semaphore_mem>>)
      %dma_wait3A = arith.constant 0 : i32
      %dma_wait3A_26 = arith.constant 0 : i32
      %dma_wait3A_27 = tpu.memref_slice %arg3[%dma_wait3A, %dma_wait3A_26] : memref<1000000x32xf32, #tpu.memory_space<hbm>> -> memref<1000000x32xf32, #tpu.memory_space<hbm>>
      tpu.wait_indirect_dma semaphore(%arg9 : memref<!tpu.dma_semaphore, #tpu.memory_space<semaphore_mem>>) src(%dma_wait3A_27 : memref<1000000x32xf32, #tpu.memory_space<hbm>>) dst(%arg7 : memref<800x32xf32, #tpu.memory_space<vmem>>)
      %scan3A_28 = arith.constant 0 : i32
      %scan3A_29 = arith.constant 800 : i32
      %scan3A_30 = arith.addi %scan3A_28, %scan3A_29 : i32
      %scan3A_31 = arith.constant 1 : i32
      scf.for %scan3A_63 = %scan3A_28 to %scan3A_30 step %scan3A_31  : i32 {
        %mul3A_64 = arith.constant 1 : i32
        %mul3A_65 = arith.muli %scan3A_63, %mul3A_64 : i32
        %add3A_66 = arith.constant 0 : i32
        %add3A_67 = arith.addi %add3A_66, %mul3A_65 : i32
        %get3A = arith.index_cast %add3A_67 : i32 to index
        %get3A_68 = arith.constant 0 : index
        %get3A_69 = tpu.vector_load %arg7[%get3A, %get3A_68] {strides = array<i32>} : memref<800x32xf32, #tpu.memory_space<vmem>>, vector<1x16xf32>,
        %get3A_70 = vector.shape_cast %get3A_69 : vector<1x16xf32> to vector<16xf32>
        %mul3A_71 = arith.constant 5.65685415 : f32
        %mul3A_72 = vector.broadcast %mul3A_71 : f32 to vector<16xf32>
        %mul3A_73 = arith.mulf %get3A_70, %mul3A_72 : vector<16xf32>
        %swap3A = arith.index_cast %add3A_67 : i32 to index
        %swap3A_74 = arith.constant 0 : index
        %swap3A_75 = tpu.vector_load %arg7[%swap3A, %swap3A_74] {strides = array<i32>} : memref<800x32xf32, #tpu.memory_space<vmem>>, vector<1x16xf32>,
        %swap3A_76 = vector.shape_cast %swap3A_75 : vector<1x16xf32> to vector<16xf32>
        %swap3A_77 = vector.shape_cast %mul3A_73 : vector<16xf32> to vector<1x16xf32>
        tpu.vector_store %arg7[%swap3A, %swap3A_74], %swap3A_77 {strides = array<i32>} : memref<800x32xf32, #tpu.memory_space<vmem>>, vector<1x16xf32>,
        %get3A_78 = arith.index_cast %add3A_67 : i32 to index
        %get3A_79 = arith.constant 16 : index
        %get3A_80 = tpu.vector_load %arg7[%get3A_78, %get3A_79] {strides = array<i32>} : memref<800x32xf32, #tpu.memory_space<vmem>>, vector<1x16xf32>,
        %get3A_81 = vector.shape_cast %get3A_80 : vector<1x16xf32> to vector<16xf32>
        %mul3A_82 = arith.constant 5.65685415 : f32
        %mul3A_83 = vector.broadcast %mul3A_82 : f32 to vector<16xf32>
        %mul3A_84 = arith.mulf %get3A_81, %mul3A_83 : vector<16xf32>
        %swap3A_85 = arith.index_cast %add3A_67 : i32 to index
        %swap3A_86 = arith.constant 16 : index
        %swap3A_87 = tpu.vector_load %arg7[%swap3A_85, %swap3A_86] {strides = array<i32>} : memref<800x32xf32, #tpu.memory_space<vmem>>, vector<1x16xf32>,
        %swap3A_88 = vector.shape_cast %swap3A_87 : vector<1x16xf32> to vector<16xf32>
        %swap3A_89 = vector.shape_cast %mul3A_84 : vector<16xf32> to vector<1x16xf32>
        tpu.vector_store %arg7[%swap3A_85, %swap3A_86], %swap3A_89 {strides = array<i32>} : memref<800x32xf32, #tpu.memory_space<vmem>>, vector<1x16xf32>,
      }
      %scan3A_32 = arith.constant 800 : i32
      %dma_start3A_33 = arith.constant 0 : i32
      %dma_start3A_34 = tpu.memref_slice %arg4[%add3A_18, %dma_start3A_33] : memref<204800x128xf32, #tpu.memory_space<hbm>> -> memref<800x32xf32, #tpu.memory_space<hbm>>
      %dma_start3A_35 = arith.constant 0 : i32
      %dma_start3A_36 = tpu.memref_slice %arg4[%add3A_18, %dma_start3A_35] : memref<204800x128xf32, #tpu.memory_space<hbm>> -> memref<800x32xf32, #tpu.memory_space<hbm>>
      tpu.enqueue_dma source(%arg7 : memref<800x32xf32, #tpu.memory_space<vmem>>) target(%dma_start3A_36 : memref<800x32xf32, #tpu.memory_space<hbm>>) target_semaphore(%arg11 : memref<!tpu.dma_semaphore, #tpu.memory_space<semaphore_mem>>)
      %add3A_37 = arith.constant 2 : i32
      %add3A_38 = arith.addi %add3A_15, %add3A_37 : i32
      %lt3A = arith.constant 8 : i32
      %lt3A_39 = arith.cmpi slt, %add3A_38, %lt3A : i32
      %convert_element_type3A = arith.extui %lt3A_39 : i1 to i32
      %cond3A = arith.constant 0 : i32
      %cond3A_40 = arith.cmpi ne, %convert_element_type3A, %cond3A : i32
      scf.if %cond3A_40 {
        %add3A_63 = arith.constant 2 : i32
        %add3A_64 = arith.addi %add3A_15, %add3A_63 : i32
        %mul3A_65 = arith.constant 800 : i32
        %mul3A_66 = arith.muli %add3A_64, %mul3A_65 : i32
        %add3A_67 = arith.addi %mul3A_2, %mul3A_66 : i32
        %add3A_68 = arith.constant 614400 : i32
        %add3A_69 = arith.addi %add3A_68, %add3A_67 : i32
        "tpu.region"() ({
          %run_scoped3A = tpu.sem_alloc : memref<!tpu.dma_semaphore, #tpu.memory_space<semaphore_mem>>
          %dma_start3A_77 = tpu.memref_slice %arg2[%add3A_69] : memref<819200xi32, #tpu.memory_space<hbm>> -> memref<800xi32, #tpu.memory_space<hbm>>
          %dma_start3A_78 = tpu.memref_slice %arg2[%add3A_69] : memref<819200xi32, #tpu.memory_space<hbm>> -> memref<800xi32, #tpu.memory_space<hbm>>
          tpu.enqueue_dma source(%dma_start3A_78 : memref<800xi32, #tpu.memory_space<hbm>>) target(%arg5 : memref<800xi32, #tpu.memory_space<vmem>>) target_semaphore(%run_scoped3A : memref<!tpu.dma_semaphore, #tpu.memory_space<semaphore_mem>>)
          %dma_wait3A_79 = tpu.memref_slice %arg2[%add3A_69] : memref<819200xi32, #tpu.memory_space<hbm>> -> memref<800xi32, #tpu.memory_space<hbm>>
          %dma_wait3A_80 = tpu.memref_slice %arg2[%add3A_69] : memref<819200xi32, #tpu.memory_space<hbm>> -> memref<800xi32, #tpu.memory_space<hbm>>
          tpu.wait_dma2 semaphore(%run_scoped3A : memref<!tpu.dma_semaphore, #tpu.memory_space<semaphore_mem>>) src(%dma_wait3A_80 : memref<800xi32, #tpu.memory_space<hbm>>) dst(%arg5 : memref<800xi32, #tpu.memory_space<vmem>>)
          tpu.yield
        }) : () -> ()
        %dma_wait3A_70 = arith.constant 0 : i32
        %dma_wait3A_71 = tpu.memref_slice %arg4[%add3A_18, %dma_wait3A_70] : memref<204800x128xf32, #tpu.memory_space<hbm>> -> memref<800x32xf32, #tpu.memory_space<hbm>>
        %dma_wait3A_72 = arith.constant 0 : i32
        %dma_wait3A_73 = tpu.memref_slice %arg4[%add3A_18, %dma_wait3A_72] : memref<204800x128xf32, #tpu.memory_space<hbm>> -> memref<800x32xf32, #tpu.memory_space<hbm>>
        tpu.wait_dma2 semaphore(%arg11 : memref<!tpu.dma_semaphore, #tpu.memory_space<semaphore_mem>>) src(%arg7 : memref<800x32xf32, #tpu.memory_space<vmem>>) dst(%dma_wait3A_73 : memref<800x32xf32, #tpu.memory_space<hbm>>)
        %dma_start3A_74 = arith.constant 0 : i32
        %dma_start3A_75 = arith.constant 0 : i32
        %dma_start3A_76 = tpu.memref_slice %arg3[%dma_start3A_74, %dma_start3A_75] : memref<1000000x32xf32, #tpu.memory_space<hbm>> -> memref<1000000x32xf32, #tpu.memory_space<hbm>>
        tpu.enqueue_indirect_dma source(%dma_start3A_76 : memref<1000000x32xf32, #tpu.memory_space<hbm>>) target(%arg7 : memref<800x32xf32, #tpu.memory_space<vmem>>) offsets(%arg5 : memref<800xi32, #tpu.memory_space<vmem>>) semaphore(%arg9 : memref<!tpu.dma_semaphore, #tpu.memory_space<semaphore_mem>>)
      } else {
      }
      %add3A_41 = arith.constant 2 : i32
      %add3A_42 = arith.addi %add3A_15, %add3A_41 : i32
      %ge3A = arith.constant 8 : i32
      %ge3A_43 = arith.cmpi sge, %add3A_42, %ge3A : i32
      %convert_element_type3A_44 = arith.extui %ge3A_43 : i1 to i32
      %cond3A_45 = arith.constant 0 : i32
      %cond3A_46 = arith.cmpi ne, %convert_element_type3A_44, %cond3A_45 : i32
      scf.if %cond3A_46 {
        %dma_wait3A_63 = arith.constant 0 : i32
        %dma_wait3A_64 = tpu.memref_slice %arg4[%add3A_18, %dma_wait3A_63] : memref<204800x128xf32, #tpu.memory_space<hbm>> -> memref<800x32xf32, #tpu.memory_space<hbm>>
        %dma_wait3A_65 = arith.constant 0 : i32
        %dma_wait3A_66 = tpu.memref_slice %arg4[%add3A_18, %dma_wait3A_65] : memref<204800x128xf32, #tpu.memory_space<hbm>> -> memref<800x32xf32, #tpu.memory_space<hbm>>
        tpu.wait_dma2 semaphore(%arg11 : memref<!tpu.dma_semaphore, #tpu.memory_space<semaphore_mem>>) src(%arg7 : memref<800x32xf32, #tpu.memory_space<vmem>>) dst(%dma_wait3A_66 : memref<800x32xf32, #tpu.memory_space<hbm>>)
      } else {
      }
      %dma_wait3A_47 = arith.constant 0 : i32
      %dma_wait3A_48 = arith.constant 0 : i32
      %dma_wait3A_49 = tpu.memref_slice %arg3[%dma_wait3A_47, %dma_wait3A_48] : memref<1000000x32xf32, #tpu.memory_space<hbm>> -> memref<1000000x32xf32, #tpu.memory_space<hbm>>
      tpu.wait_indirect_dma semaphore(%arg10 : memref<!tpu.dma_semaphore, #tpu.memory_space<semaphore_mem>>) src(%dma_wait3A_49 : memref<1000000x32xf32, #tpu.memory_space<hbm>>) dst(%arg8 : memref<800x32xf32, #tpu.memory_space<vmem>>)
      %scan3A_50 = arith.constant 0 : i32
      %scan3A_51 = arith.constant 800 : i32
      %scan3A_52 = arith.addi %scan3A_50, %scan3A_51 : i32
      %scan3A_53 = arith.constant 1 : i32
      scf.for %scan3A_63 = %scan3A_50 to %scan3A_52 step %scan3A_53  : i32 {
        %mul3A_64 = arith.constant 1 : i32
        %mul3A_65 = arith.muli %scan3A_63, %mul3A_64 : i32
        %add3A_66 = arith.constant 0 : i32
        %add3A_67 = arith.addi %add3A_66, %mul3A_65 : i32
        %get3A = arith.index_cast %add3A_67 : i32 to index
        %get3A_68 = arith.constant 0 : index
        %get3A_69 = tpu.vector_load %arg8[%get3A, %get3A_68] {strides = array<i32>} : memref<800x32xf32, #tpu.memory_space<vmem>>, vector<1x16xf32>,
        %get3A_70 = vector.shape_cast %get3A_69 : vector<1x16xf32> to vector<16xf32>
        %mul3A_71 = arith.constant 5.65685415 : f32
        %mul3A_72 = vector.broadcast %mul3A_71 : f32 to vector<16xf32>
        %mul3A_73 = arith.mulf %get3A_70, %mul3A_72 : vector<16xf32>
        %swap3A = arith.index_cast %add3A_67 : i32 to index
        %swap3A_74 = arith.constant 0 : index
        %swap3A_75 = tpu.vector_load %arg8[%swap3A, %swap3A_74] {strides = array<i32>} : memref<800x32xf32, #tpu.memory_space<vmem>>, vector<1x16xf32>,
        %swap3A_76 = vector.shape_cast %swap3A_75 : vector<1x16xf32> to vector<16xf32>
        %swap3A_77 = vector.shape_cast %mul3A_73 : vector<16xf32> to vector<1x16xf32>
        tpu.vector_store %arg8[%swap3A, %swap3A_74], %swap3A_77 {strides = array<i32>} : memref<800x32xf32, #tpu.memory_space<vmem>>, vector<1x16xf32>,
        %get3A_78 = arith.index_cast %add3A_67 : i32 to index
        %get3A_79 = arith.constant 16 : index
        %get3A_80 = tpu.vector_load %arg8[%get3A_78, %get3A_79] {strides = array<i32>} : memref<800x32xf32, #tpu.memory_space<vmem>>, vector<1x16xf32>,
        %get3A_81 = vector.shape_cast %get3A_80 : vector<1x16xf32> to vector<16xf32>
        %mul3A_82 = arith.constant 5.65685415 : f32
        %mul3A_83 = vector.broadcast %mul3A_82 : f32 to vector<16xf32>
        %mul3A_84 = arith.mulf %get3A_81, %mul3A_83 : vector<16xf32>
        %swap3A_85 = arith.index_cast %add3A_67 : i32 to index
        %swap3A_86 = arith.constant 16 : index
        %swap3A_87 = tpu.vector_load %arg8[%swap3A_85, %swap3A_86] {strides = array<i32>} : memref<800x32xf32, #tpu.memory_space<vmem>>, vector<1x16xf32>,
        %swap3A_88 = vector.shape_cast %swap3A_87 : vector<1x16xf32> to vector<16xf32>
        %swap3A_89 = vector.shape_cast %mul3A_84 : vector<16xf32> to vector<1x16xf32>
        tpu.vector_store %arg8[%swap3A_85, %swap3A_86], %swap3A_89 {strides = array<i32>} : memref<800x32xf32, #tpu.memory_space<vmem>>, vector<1x16xf32>,
      }
      %scan3A_54 = arith.constant 800 : i32
      %dma_start3A_55 = arith.constant 0 : i32
      %dma_start3A_56 = tpu.memref_slice %arg4[%add3A_20, %dma_start3A_55] : memref<204800x128xf32, #tpu.memory_space<hbm>> -> memref<800x32xf32, #tpu.memory_space<hbm>>
      %dma_start3A_57 = arith.constant 0 : i32
      %dma_start3A_58 = tpu.memref_slice %arg4[%add3A_20, %dma_start3A_57] : memref<204800x128xf32, #tpu.memory_space<hbm>> -> memref<800x32xf32, #tpu.memory_space<hbm>>
      tpu.enqueue_dma source(%arg8 : memref<800x32xf32, #tpu.memory_space<vmem>>) target(%dma_start3A_58 : memref<800x32xf32, #tpu.memory_space<hbm>>) target_semaphore(%arg12 : memref<!tpu.dma_semaphore, #tpu.memory_space<semaphore_mem>>)
      %dma_wait3A_59 = arith.constant 0 : i32
      %dma_wait3A_60 = tpu.memref_slice %arg4[%add3A_20, %dma_wait3A_59] : memref<204800x128xf32, #tpu.memory_space<hbm>> -> memref<800x32xf32, #tpu.memory_space<hbm>>
      %dma_wait3A_61 = arith.constant 0 : i32
      %dma_wait3A_62 = tpu.memref_slice %arg4[%add3A_20, %dma_wait3A_61] : memref<204800x128xf32, #tpu.memory_space<hbm>> -> memref<800x32xf32, #tpu.memory_space<hbm>>
      tpu.wait_dma2 semaphore(%arg12 : memref<!tpu.dma_semaphore, #tpu.memory_space<semaphore_mem>>) src(%arg8 : memref<800x32xf32, #tpu.memory_space<vmem>>) dst(%dma_wait3A_62 : memref<800x32xf32, #tpu.memory_space<hbm>>)
    }
    %scan3A_10 = arith.constant 4 : i32
    return
  }
}

</mosaic_0001>

<sc_bundles>
// kernel: kernel.12.cloned.1.call-start
scs
__scs_entry_jumppad:
0x0: {  	(pc) =	sbr.rel $0x88, $3  }
0x1: {  	(tag) =	ssettag $0x0;
	lr =	simm.s32 $0x1  }
0x2: {  	[smem:$0x3F9F] =	sst lr;
	_ =	strace $0xD0000000  }
0x3: {  	_ = 	snop  }
0x4: {  	_ = 	snop  }
0x5: {  	_ = 	snop  }
0x6: {  	_ = 	snop  }
0x7: {  	_ = 	snop  }
__scs_overlays_trampoline_lowered:
0x8: {  	[smem:$0x3FAE] =	sst s0  }
0x9: {  	[smem:$0x3FAF] =	sst s1  }
0xa: {  	[smem:$0x3FB0] =	sst s2  }
0xb: {  	[smem:$0x3FB1] =	sst s3  }
0xc: {  	[smem:$0x3FB2] =	sst s4  }
0xd: {  	[smem:$0x3FB3] =	sst s5  }
0xe: {  	[smem:$0x3FB4] =	sst s6  }
0xf: {  	[smem:$0x3FB5] =	sst s7  }
0x10: {  	[smem:$0x3FB6] =	sst s8  }
0x11: {  	[smem:$0x3FB7] =	sst s9;
	s0 =	simm.s32 @!p0 $0x0  }
0x12: {  	s1 =	sld [smem:$0x3F9D];
	s0 =	simm.s32 @p0 $0x1  }
0x13: {  	[smem:$0x3FB8] =	sst s0;
	s0 =	simm.s32 @!p1 $0x0  }
0x14: {  	s2 =	sld [smem:$0x3F9C];
	s0 =	simm.s32 @p1 $0x1  }
0x15: {  	[smem:$0x3FB9] =	sst s0;
	s0 =	simm.s32 @!p2 $0x0  }
0x16: {  	s3 =	sld [smem:$0x3FDB];
	s0 =	simm.s32 @p2 $0x1  }
0x17: {  	s4 =	simm.s32 $0x1BF5;
	[smem:$0x3FBB] =	sst s0  }
0x18: {  	s0 =	sld [smem:$0x3F9E];
	_ =	swait.ge [sflag:s4], $0x0  }
0x19: {  	s7 =	sld [smem:$0x3F9F]  }
0x1a: {  	s8 =	sadd.s32 $0xFFFFE003, lr  }
0x1b: {  	s9 =	sadd.s32 $0xFFFFFEF7, lr;
	s5 =	simm.s32 $0xFFFFFFFF;
	p2 =	slt.u32 s8, $0xFFFFF086  }
0x1c: {  	p1 =	slt.u32 s9, $0xF7A;
	s5 =	simm.s32 @!p2 $0x0  }
0x1d: {  	s5 =	simm.s32 @p1 $0x1;
	p0 =	seq.s32 s7, s2  }
0x1e: {  	s7 =	smul.u32 @!p0 $0xF7A, s2;
	p2 =	seq.s32 @!p0 s5, $0x0  }
0x1f: {  	s9 =	smul.u32 $0xF7A, s1;
	s8 =	simm.s32 @!p0 $0x1BF5;
	p2 =	por !p2, p0  }
0x20: {  	[sflag:s8] =	ssyncset.s32 @!p0 $0xFFFFF086;
	s6 =	sadd.s32 @!p0 s3, s7;
	s7 =	simm.s32 @!p0 $0x108  }
0x21: {  	s3 =	sadd.s32 s3, s9;
	s6 =	sadd.s32 @!p0 $0x88, s6;
	s7 =	simm.s32 @p2 $0x1082  }
0x22: {  	[simem:s7], [sflag:s8] =	dma.local @!p0 [hbm:s6], $0xF7A  }
0x23: {  	s9 =	sor.u32 $0xD0000000, s2;
	s6 =	simm.s32 $0x108;
	_ =	swait.ge @!p0 [sflag:s8], $0x0  }
0x24: {  	s3 =	sadd.s32 $0x88, s3;
	s6 =	simm.s32 @!p1 $0x1082;
	[sflag:s4] =	ssyncset.s32 $0xFFFFF086  }
0x25: {  	[simem:s6], [sflag:s4] =	dma.local [hbm:s3], $0xF7A  }
0x26: {  	[smem:$0x3F9F] =	sst s1;
	(tag) =	ssettag s2;
	_ =	strace s9  }
0x27: {  	s1 =	sld [smem:$0x3FAF]  }
0x28: {  	s2 =	sld [smem:$0x3FB0]  }
0x29: {  	s4 =	sld [smem:$0x3FB2]  }
0x2a: {  	p0 =	seq.s32 s5, $0x0;
	s5 =	sld [smem:$0x3FB3]  }
0x2b: {  	s6 =	sld [smem:$0x3FB4]  }
0x2c: {  	s7 =	sld [smem:$0x3FB5]  }
0x2d: {  	s3 =	simm.s32 $0x108;
	s8 =	sld [smem:$0x3FB6]  }
0x2e: {  	s3 =	simm.s32 @!p0 $0x1082;
	s9 =	sld [smem:$0x3FB7]  }
0x2f: {  	lr =	sadd.s32 s0, s3;
	s0 =	sld [smem:$0x3FAE]  }
0x30: {  	s3 =	sld [smem:$0x3FB1]  }
0x31: {  	[smem:$0x3FBA] =	sst s10  }
0x32: {  	s10 =	sld [smem:$0x3FB8];
	_ =	sdelay $0x3  }
0x33: {  	p0 =	seq.s32 s10, $0x1;
	s10 =	sld [smem:$0x3FBA];
	_ =	sdelay $0x3  }
0x34: {  	[smem:$0x3FBA] =	sst s10  }
0x35: {  	s10 =	sld [smem:$0x3FB9];
	_ =	sdelay $0x3  }
0x36: {  	p1 =	seq.s32 s10, $0x1;
	s10 =	sld [smem:$0x3FBA];
	_ =	sdelay $0x3  }
0x37: {  	[smem:$0x3FBA] =	sst s10  }
0x38: {  	s10 =	sld [smem:$0x3FBB]  }
0x39: {  	_ = 	snop;
	(pc) =	sbr.ind lr, $3  }
0x3a: {  	_ = 	snop  }
0x3b: {  	_ = 	snop  }
0x3c: {  	p2 =	seq.s32 s10, $0x1;
	s10 =	sld [smem:$0x3FBA]  }
0x3d: {  	_ =	shalt  }
0x3e: {  	_ =	shalt  }
0x3f: {  	_ =	shalt  }
0x40: {  	_ =	shalt  }
0x41: {  	_ =	shalt  }
0x42: {  	_ =	shalt  }
0x43: {  	_ =	shalt  }
0x44: {  	_ =	shalt  }
0x45: {  	_ =	shalt  }
0x46: {  	_ =	shalt  }
0x47: {  	_ =	shalt  }
0x48: {  	_ =	shalt  }
0x49: {  	_ =	shalt  }
0x4a: {  	_ =	shalt  }
0x4b: {  	_ =	shalt  }
0x4c: {  	_ =	shalt  }
0x4d: {  	_ =	shalt  }
0x4e: {  	_ =	shalt  }
0x4f: {  	_ =	shalt  }
0x50: {  	_ =	shalt  }
0x51: {  	_ =	shalt  }
0x52: {  	_ =	shalt  }
0x53: {  	_ =	shalt  }
0x54: {  	_ =	shalt  }
0x55: {  	_ =	shalt  }
0x56: {  	_ =	shalt  }
0x57: {  	_ =	shalt  }
0x58: {  	_ =	shalt  }
0x59: {  	_ =	shalt  }
0x5a: {  	_ =	shalt  }
0x5b: {  	_ =	shalt  }
0x5c: {  	_ =	shalt  }
0x5d: {  	_ =	shalt  }
0x5e: {  	_ =	shalt  }
0x5f: {  	_ =	shalt  }
0x60: {  	_ =	shalt  }
0x61: {  	_ =	shalt  }
0x62: {  	_ =	shalt  }
0x63: {  	_ =	shalt  }
0x64: {  	_ =	shalt  }
0x65: {  	_ =	shalt  }
0x66: {  	_ =	shalt  }
0x67: {  	_ =	shalt  }
0x68: {  	_ =	shalt  }
0x69: {  	_ =	shalt  }
0x6a: {  	_ =	shalt  }
0x6b: {  	_ =	shalt  }
0x6c: {  	_ =	shalt  }
0x6d: {  	_ =	shalt  }
0x6e: {  	_ =	shalt  }
0x6f: {  	_ =	shalt  }
0x70: {  	_ =	shalt  }
0x71: {  	_ =	shalt  }
0x72: {  	_ =	shalt  }
0x73: {  	_ =	shalt  }
0x74: {  	_ =	shalt  }
0x75: {  	_ =	shalt  }
0x76: {  	_ =	shalt  }
0x77: {  	_ =	shalt  }
0x78: {  	_ =	shalt  }
0x79: {  	_ =	shalt  }
0x7a: {  	_ =	shalt  }
0x7b: {  	_ =	shalt  }
0x7c: {  	_ =	shalt  }
0x7d: {  	_ =	shalt  }
0x7e: {  	_ =	shalt  }
0x7f: {  	_ =	shalt  }
0x80: {  	_ =	shalt  }
0x81: {  	_ =	shalt  }
0x82: {  	_ =	shalt  }
0x83: {  	_ =	shalt  }
0x84: {  	_ =	shalt  }
0x85: {  	_ =	shalt  }
0x86: {  	_ =	shalt  }
0x87: {  	_ =	shalt  }
.Lfunc_end0:
.L_simem_size_0:
called_computation.2_lowered:
.L_overlay_start_0:
0x88: {  	s2 =	sld [smem:$0x3FD9]  }
0x89: {  	s3 =	sld [smem:$0x3FFE];
	_ =	sdelay $0x1  }
0x8a: {  	s1 =	srdreg.scid  }
0x8b: {  	s0 =	sand.u32 $0x1, s1  }
0x8c: {  	s17 =	sshll.u32 s0, $0xA;
	s2 =	sadd.s32 s3, s2  }
0x8d: {  	s2 =	sadd.s32 s2, s17  }
0x8e: {  	[smem:$0x3FC6] =	sst s2  }
0x8f: {  	_ = 	snop  }
0x90: {  	(tm) =	ssettm $0x1  }
0x91: {  	s18 =	sld [smem:$0x3FFB];
	_ =	sdelay $0x3  }
0x92: {  	_ =	strace s18  }
0x93: {  	s2 =	sld [smem:$0x3FFC];
	_ =	sdelay $0x3  }
0x94: {  	_ =	strace s2  }
0x95: {  	s2 =	sld [smem:$0x3FFD];
	_ =	sdelay $0x3  }
0x96: {  	_ =	strace s2  }
0x97: {  	_ =	strace $0x8FFFFFFF  }
0x98: {  	s19 =	sld [smem:$0x3FDB];
	_ =	sdelay $0x1  }
0x99: {  	s20 =	simm.s32 $_scs_section_size  }
0x9a: {  	s4 =	simm.s32 $_size__tile_overlayer_lowered;
	s5 =	simm.s32 $_tile_overlayer_lowered  }
0x9b: {  	s6 =	simm.s32 $0x1BFF;
	s21 =	sshll.u32 s5, $0x1;
	s3 =	sadd.s32 s20, s19  }
0x9c: {  	s22 =	simm.s32 $0x0;
	s4 =	sshll.u32 s4, $0x1;
	s5 =	sadd.s32 s21, s3  }
0x9d: {  	[timem:s22], [sflag:s6] =	dma.local [hbm:s5], s4  }
0x9e: {  	_ =	swait.ge [sflag:s6], s4  }
0x9f: {  	s4 =	ssub.s32 $0x0, s4;
	[sflag:s6] =	ssyncset.done $0x0  }
0xa0: {  	[sflag:s6] =	ssyncadd.s32 s4;
	_ =	sdelay $0x1  }
0xa1: {  	s23 =	simm.s32 $0x1B8B  }
0xa2: {  	_ =	swait.ge [sflag:s23], $0x1  }
0xa3: {  	[sflag:s23] =	ssyncset.done $0x0  }
0xa4: {  	[sflag:s23] =	ssyncadd.s32 $0xFFFFFFFF  }
0xa5: {  	s4 =	sld [smem:$0x0]  }
0xa6: {  	s5 =	sand.u32 $0xFFFFFFFE, s1  }
0xa7: {  	p0 =	sne.s32 s1, s5  }
0xa8: {  	s5 =	sshll.u32 @p0 s5, $0xE  }
0xa9: {  	s5 =	sadd.s32 @p0 $0x11B8D, s5;
	s6 =	sshll.u32 @p0 s4, $0x11  }
0xaa: {  	s5 =	sor.u32 @p0 s6, s5  }
0xab: {  	[sflag:s5] =	ssyncadd.remote.s32 @p0 $0x1;
	_ =	sdelay $0x1  }
0xac: {  	s5 =	simm.s32 @p0 $0x1B8D  }
0xad: {  	_ =	swait.eq @p0 [sflag:s5], $0x1  }
0xae: {  	[sflag:s5] =	ssyncadd.s32 @p0 $0xFFFFFFFF  }
0xaf: {  	s6 =	sshll.u32 @!p0 s1, $0xE  }
0xb0: {  	s6 =	sor.u32 @!p0 $0x4000, s6;
	s5 =	simm.s32 @!p0 $0x1B8D  }
0xb1: {  	s4 =	sshll.u32 @!p0 s4, $0x11;
	s6 =	sadd.s32 @!p0 $0x11B8D, s6;
	_ =	swait.eq @!p0 [sflag:s5], $0x1  }
0xb2: {  	s4 =	sor.u32 @!p0 s4, s6;
	[sflag:s5] =	ssyncadd.s32 @!p0 $0xFFFFFFFF  }
0xb3: {  	s25 =	simm.s32 $0x1B8E;
	s24 =	sld [smem:$0x3FFE];
	[sflag:s4] =	ssyncadd.remote.s32 @!p0 $0x1  }
0xb4: {  	s26 =	simm.s32 $execute0_lowered;
	[smem:$0x3FD2] =	sst s25  }
0xb5: {  	s5 =	sshll.u32 s26, $0x1;
	_ =	strace $0x8000004C;
	[dreg:$0x1] =	wrdreg $0xFFFFFFFF  }
0xb6: {  	s28 =	simm.s32 $_size_execute0_lowered;
	s3 =	sadd.s32 s3, s5;
	[dreg:$0x0] =	wrdreg $0x0  }
0xb7: {  	s5 =	sshll.u32 s28, $0x1;
	[dreg:$0x2] =	wrdreg s3  }
0xb8: {  	[dreg:$0x3] =	wrdreg s5  }
0xb9: {  	[dreg:$0x4] =	wrdreg $0xC0  }
0xba: {  	_ =	task [dreg:s22], $0x5FFFF  }
0xbb: {  	[dreg:$0x1] =	wrdreg $0xFFFFFFFF  }
0xbc: {  	[dreg:$0x0] =	wrdreg $0x60  }
0xbd: {  	[dreg:$0x2] =	wrdreg s24  }
0xbe: {  	[dreg:$0x3] =	wrdreg $0xB  }
0xbf: {  	_ =	task.clear_ibuf [dreg:s22], $0x4FFFF;
	_ =	strace $0x9000004C  }
0xc0: {  	s29 =	simm.s32 $0xB;
	_ =	strace $0x8000004E  }
0xc1: {  	_ =	swait.ge [sflag:s29], $0x1  }
0xc2: {  	[sflag:s29] =	ssyncadd.s32 $0xFFFFFFFF  }
0xc3: {  	_ =	strace $0x9000004E  }
0xc4: {  	_ =	sfence  }
0xc5: {  	s30 =	sld [smem:$0x0];
	_ =	sdelay $0x2  }
0xc6: {  	s31 =	sshll.u32 s1, $0xD;
	s1 =	sshrl.u32 s1, $0x2  }
0xc7: {  	s4 =	sand.u32 $0x4000, s31;
	s1 =	sadd.s32 s1, s30  }
0xc8: {  	s0 =	sor.u32 s4, s0;
	s1 =	sshll.u32 s1, $0x11  }
0xc9: {  	s0 =	sor.u32 s1, s0  }
0xca: {  	s0 =	sadd.s32 $0x8F2B, s0  }
0xcb: {  	[sflag:s0] =	ssyncadd.remote.s32 $0x1  }
0xcc: {  	_ =	sfence.sel $0xFFFF  }
0xcd: {  	[dreg:$0x0] =	wrdreg $0xFFFFFFFF;
	(pc) =	sbr.abs _section_cstart, $3  }
0xce: {  	[dreg:$0x1] =	wrdreg $0xFFFFFFFF  }
0xcf: {  	_ =	task.clear_ibuf [dreg:s22], $0x2FFFF;
	_ =	strace $0x9FFFFFFF  }
0xd0: {  	(tm) =	ssettm $0x7FFFFFFF  }
0xd1: {  	_ =	shalt  }
tec
execute0_lowered:
.L_overlay_start_1:
0x0: {  	(tag) =	ssettag $0x1  }
0x1: {  	s1 =	srdreg.scid  }
0x2: {  	s0 =	stileid.u32;
	s9 =	rddreg [dreg:$0x0]  }
0x3: {  	s2 =	simm.s32 $0x0;
	s11 =	simm.s32 $0x5;
	s12 =	simm.s32 $0x320  }
0x4: {  	s13 =	simm.s32 $0x640;
	s14 =	simm.s32 $0x6A40;
	s15 =	simm.s32 $0x1  }
0x5: {  	s16 =	simm.s32 $0x20;
	s17 =	simm.s32 $0x80;
	s18 =	simm.s32 $0x2  }
0x6: {  	s19 =	simm.s32 $0x4;
	s6 =	sand.u32 $0x1, s1;
	s3 =	sshll.u32 s0, $0x1  }
0x7: {  	s20 =	simm.s32 $0x0;
	s1 =	rddreg [dreg:$0x1];
	s3 =	sor.u32 s6, s3  }
0x8: {  	[smem:$0x7FF] =	sst s2;
	s4 =	sadd.s32 $0x1200, s9;
	s3 =	smul.u32 $0x1900, s3  }
0x9: {  	s5 =	sadd.s32 $0xF43600, s9;
	_ =	strace $0x8000004D;
	s7 =	ssub.s32 $0x2, s6  }
0xa: {  	s6 =	sadd.s32 $0x65A200, s9;
	s10 =	sshrl.u32 s7, $0x1;
	s8 =	sshrl.u32 s3, $0x3  }
0xb: {  	s9 =	sadd.s32 $0x65D400, s9;
	s10 =	ssub.s32 s7, s10;
	s8 =	sadd.s32 s4, s8  }
0xc: {  	s10 =	smax.u32 s10, $0x1;
	s7 =	sadd.s32 $0xC800, s8;
	s8 =	sadd.s32 $0x64640, s3  }
.LBB2_1:
0xd: {  	[tilespmem:s2], [sflag:$0x5] =	stream.linear.gather [hbm4b:s7+s2], $0x320, $0x38;
	[tilespmem:$0xCE40] =	vst v63  }
0xe: {  	_ =	swait.ge [sflag:s11], $0x320  }
0xf: {  	[sflag:s11] =	ssyncset.done $0x0  }
0x10: {  	s21 =	simm.s32 $0x0;
	[sflag:s11] =	ssyncadd.s32 $0xFFFFFCE0  }
0x11: {  	[tilespmem:s13], [sflag:$0x1] =	stream.indirect.gather [hbm4b:s5+s12], $0x20, s2, s12, $0xb8;
	[tilespmem:$0xCE40] =	vst v63  }
.LBB2_2:
0x12: {  	s23 =	smul.u32 $0x640, s21;
	_ =	sdelay $0x1  }
0x13: {  	s22 =	sadd.s32 s3, s23  }
0x14: {  	s24 =	sshrl.u32 s22, $0x3  }
0x15: {  	s24 =	sadd.s32 s4, s24  }
0x16: {  	s25 =	simm.s32 $0x0;
	s24 =	sadd.s32 $0xC864, s24  }
0x17: {  	[tilespmem:s12], [sflag:$0x5] =	stream.linear.gather [hbm4b:s24+s25], $0x320, $0x38;
	[tilespmem:$0xCE40] =	vst v63  }
0x18: {  	_ =	swait.ge [sflag:s11], $0x320  }
0x19: {  	[sflag:s11] =	ssyncset.done $0x0  }
0x1a: {  	[sflag:s11] =	ssyncadd.s32 $0xFFFFFCE0  }
0x1b: {  	[tilespmem:s14], [sflag:$0x2] =	stream.indirect.gather [hbm4b:s5+s12], $0x20, s12, s12, $0xb8;
	[tilespmem:$0xCE40] =	vst v63  }
0x1c: {  	_ =	swait.ge [sflag:s15], $0x6400  }
0x1d: {  	[sflag:s15] =	ssyncset.done $0x0  }
0x1e: {  	s24 =	simm.s32 $0x0;
	[sflag:s15] =	ssyncadd.s32 $0xFFFF9C00  }
0x1f: {  	s25 =	simm.s32 $0x80;
	v0 =	vld [tilespmem:s24+$0x640]  }
.LBB2_3:
0x20: {  	p0 =	sne.s32 s25, $0x18F80;
	v1 =	vld [tilespmem:s24+$0x650];
	_ =	sdelay $0x2  }
.Ltmp0:
0x21: {  	(pc) =	sbr.rel @p0 .LBB2_3-.Ltmp0, $4  }
0x22: {  	v0 =	vmul.f32 $5.656854150e+00, v0  }
0x23: {  	v1 =	vmul.f32 $5.656854150e+00, v1  }
0x24: {  	s26 =	sshra.s32 s25, $0x2;
	[tilespmem:s24+$0x640] =	vst v0  }
0x25: {  	s25 =	sadd.s32 $0x80, s25;
	v0 =	vld [tilespmem:s26+$0x640];
	[tilespmem:s24+$0x650] =	vst v1;
	s24 =	smov.u32 s26  }
0x26: {  	v1 =	vld [tilespmem:s24+$0x650];
	_ =	sdelay $0x3  }
0x27: {  	v0 =	vmul.f32 $5.656854150e+00, v0  }
0x28: {  	v1 =	vmul.f32 $5.656854150e+00, v1  }
0x29: {  	s22 =	sshll.u32 s22, $0x4;
	p0 =	seq.s32 s21, $0x3;
	[tilespmem:s24+$0x640] =	vst v0  }
0x2a: {  	s31 =	sadd.s32 s6, s22;
	[tilespmem:s24+$0x650] =	vst v1;
	s24 =	simm.s32 @p0 $0x3  }
0x2b: {  	[hbm4b:s31+s16] =	stream.strided.scatter [tilespmem:s13], [sflag:$0x3], $0x6400, s17, s16, $0x38;
	[tilespmem:$0xCE40] =	vst v63  }
0x2c: {  	s23 =	sadd.s32 @!p0 s23, s8;
	_ =	swait.ge @p0 [sflag:s24], $0x6400  }
0x2d: {  	s23 =	sshrl.u32 @!p0 s23, $0x3;
	[sflag:s24] =	ssyncset.done @p0 $0x0  }
0x2e: {  	s23 =	sadd.s32 @!p0 s4, s23;
	[sflag:s24] =	ssyncadd.s32 @p0 $0xFFFF9C00;
	s24 =	simm.s32 @!p0 $0x0  }
0x2f: {  	[tilespmem:s24], [sflag:$0x5] =	stream.linear.gather @!p0 [hbm4b:s23+s24], $0x320, $0x38;
	[tilespmem:$0xCE40] =	vst v63  }
0x30: {  	s23 =	simm.s32 @!p0 $0x5  }
0x31: {  	_ =	swait.ge @!p0 [sflag:s23], $0x320  }
0x32: {  	[sflag:s23] =	ssyncset.done @!p0 $0x0  }
0x33: {  	[sflag:s23] =	ssyncadd.s32 @!p0 $0xFFFFFCE0;
	s23 =	simm.s32 @!p0 $0x3  }
0x34: {  	_ =	swait.ge @!p0 [sflag:s23], $0x6400  }
0x35: {  	[sflag:s23] =	ssyncset.done @!p0 $0x0  }
0x36: {  	s25 =	simm.s32 @!p0 $0x640;
	[sflag:s23] =	ssyncadd.s32 @!p0 $0xFFFF9C00;
	s23 =	simm.s32 @!p0 $0x320  }
0x37: {  	[tilespmem:s25], [sflag:$0x1] =	stream.indirect.gather @!p0 [hbm4b:s5+s23], $0x20, s24, s23, $0xb8;
	[tilespmem:$0xCE40] =	vst v63  }
0x38: {  	_ =	swait.ge [sflag:s18], $0x6400  }
0x39: {  	[sflag:s18] =	ssyncset.done $0x0  }
0x3a: {  	s23 =	simm.s32 $0x0;
	[sflag:s18] =	ssyncadd.s32 $0xFFFF9C00  }
0x3b: {  	s24 =	simm.s32 $0x80;
	v0 =	vld [tilespmem:s23+$0x6A40]  }
.LBB2_5:
0x3c: {  	p0 =	sne.s32 s24, $0x18F80;
	v1 =	vld [tilespmem:s23+$0x6A50];
	_ =	sdelay $0x2  }
.Ltmp1:
0x3d: {  	(pc) =	sbr.rel @p0 .LBB2_5-.Ltmp1, $4  }
0x3e: {  	v0 =	vmul.f32 $5.656854150e+00, v0  }
0x3f: {  	v1 =	vmul.f32 $5.656854150e+00, v1  }
0x40: {  	s25 =	sshra.s32 s24, $0x2;
	[tilespmem:s23+$0x6A40] =	vst v0  }
0x41: {  	s24 =	sadd.s32 $0x80, s24;
	v0 =	vld [tilespmem:s25+$0x6A40];
	[tilespmem:s23+$0x6A50] =	vst v1;
	s23 =	smov.u32 s25  }
0x42: {  	v1 =	vld [tilespmem:s23+$0x6A50];
	_ =	sdelay $0x3  }
0x43: {  	v0 =	vmul.f32 $5.656854150e+00, v0  }
0x44: {  	s21 =	sadd.s32 $0x1, s21;
	v1 =	vmul.f32 $5.656854150e+00, v1  }
0x45: {  	p0 =	sne.s32 s21, $0x4;
	[tilespmem:s23+$0x6A40] =	vst v0  }
.Ltmp2:
0x46: {  	s22 =	sadd.s32 s22, s9;
	[tilespmem:s23+$0x6A50] =	vst v1;
	(pc) =	sbr.rel @p0 .LBB2_2-.Ltmp2, $4  }
0x47: {  	[hbm4b:s22+s16] =	stream.strided.scatter [tilespmem:s14], [sflag:$0x4], $0x6400, s17, s16, $0x38;
	[tilespmem:$0xCE40] =	vst v63  }
0x48: {  	_ =	swait.ge [sflag:s19], $0x6400  }
0x49: {  	[sflag:s19] =	ssyncset.done $0x0  }
0x4a: {  	[sflag:s19] =	ssyncadd.s32 $0xFFFF9C00  }
0x4b: {  	s20 =	sadd.s32 $0x1, s20  }
0x4c: {  	p0 =	sne.s32 s20, s10  }
.Ltmp3:
0x4d: {  	_ = 	snop;
	(pc) =	sbr.rel @p0 .LBB2_1-.Ltmp3, $1  }
0x4e: {  	_ =	sdelay $0x3  }
0x4f: {  	_ =	sfence.sel $0x180000  }
0x50: {  	[bflag:$0x0] =	sbarrier.arrive $0xFFFF  }
0x51: {  	p0 =	sne.s32 s0, $0x0;
	_ =	strace $0x9000004D  }
0x52: {  	s0 =	sadd.s32 @!p0 $0x100000, s1;
	[bflag:$0x2] =	sbarrier.arrive $0xFFFF  }
0x53: {  	[sflag:s0] =	ssyncadd.tile.s32 @!p0 $0x1;
	_ =	shalt  }
.Lfunc_end2:
_tile_overlayer_lowered:
.L_overlay_start_2:
0x54: {  	(tag) =	ssettag $0x2  }
0x55: {  	s0 =	rddreg [dreg:$0x0];
	s2 =	stileid.u32  }
0x56: {  	s1 =	rddreg [dreg:$0x1];
	p0 =	sne.s32 s2, $0x0  }
0x57: {  	s3 =	rddreg [dreg:$0x2];
	[bflag:$0x3] =	sbarrier.arrive $0xFFFF;
	s2 =	simm.s32 @!p0 $0x1C05  }
0x58: {  	[timem:s3], [sflag:s2] =	dma.local @!p0 [hbm:s0], s1  }
0x59: {  	s0 =	simm.s32 @!p0 $0x5  }
0x5a: {  	_ =	swait.ge @!p0 [sflag:s0], s1  }
0x5b: {  	s1 =	ssub.s32 @!p0 $0x0, s1;
	[sflag:s0] =	ssyncset.done @!p0 $0x0  }
0x5c: {  	[sflag:s0] =	ssyncadd.s32 @!p0 s1  }
0x5d: {  	[bflag:$0x3] =	sbarrier.arrive $0xFFFF  }
0x5e: {  	_ =	shalt  }

// kernel: kernel.15.cloned.1.call-start
scs
__scs_entry_jumppad:
0x0: {  	(pc) =	sbr.rel $0x88, $3  }
0x1: {  	(tag) =	ssettag $0x0;
	lr =	simm.s32 $0x1  }
0x2: {  	[smem:$0x3F9F] =	sst lr;
	_ =	strace $0xD0000000  }
0x3: {  	_ = 	snop  }
0x4: {  	_ = 	snop  }
0x5: {  	_ = 	snop  }
0x6: {  	_ = 	snop  }
0x7: {  	_ = 	snop  }
__scs_overlays_trampoline_lowered:
0x8: {  	[smem:$0x3FAE] =	sst s0  }
0x9: {  	[smem:$0x3FAF] =	sst s1  }
0xa: {  	[smem:$0x3FB0] =	sst s2  }
0xb: {  	[smem:$0x3FB1] =	sst s3  }
0xc: {  	[smem:$0x3FB2] =	sst s4  }
0xd: {  	[smem:$0x3FB3] =	sst s5  }
0xe: {  	[smem:$0x3FB4] =	sst s6  }
0xf: {  	[smem:$0x3FB5] =	sst s7  }
0x10: {  	[smem:$0x3FB6] =	sst s8  }
0x11: {  	[smem:$0x3FB7] =	sst s9;
	s0 =	simm.s32 @!p0 $0x0  }
0x12: {  	s1 =	sld [smem:$0x3F9D];
	s0 =	simm.s32 @p0 $0x1  }
0x13: {  	[smem:$0x3FB8] =	sst s0;
	s0 =	simm.s32 @!p1 $0x0  }
0x14: {  	s2 =	sld [smem:$0x3F9C];
	s0 =	simm.s32 @p1 $0x1  }
0x15: {  	[smem:$0x3FB9] =	sst s0;
	s0 =	simm.s32 @!p2 $0x0  }
0x16: {  	s3 =	sld [smem:$0x3FDB];
	s0 =	simm.s32 @p2 $0x1  }
0x17: {  	s4 =	simm.s32 $0x1BF5;
	[smem:$0x3FBB] =	sst s0  }
0x18: {  	s0 =	sld [smem:$0x3F9E];
	_ =	swait.ge [sflag:s4], $0x0  }
0x19: {  	s7 =	sld [smem:$0x3F9F]  }
0x1a: {  	s8 =	sadd.s32 $0xFFFFE003, lr  }
0x1b: {  	s9 =	sadd.s32 $0xFFFFFEF7, lr;
	s5 =	simm.s32 $0xFFFFFFFF;
	p2 =	slt.u32 s8, $0xFFFFF086  }
0x1c: {  	p1 =	slt.u32 s9, $0xF7A;
	s5 =	simm.s32 @!p2 $0x0  }
0x1d: {  	s5 =	simm.s32 @p1 $0x1;
	p0 =	seq.s32 s7, s2  }
0x1e: {  	s7 =	smul.u32 @!p0 $0xF7A, s2;
	p2 =	seq.s32 @!p0 s5, $0x0  }
0x1f: {  	s9 =	smul.u32 $0xF7A, s1;
	s8 =	simm.s32 @!p0 $0x1BF5;
	p2 =	por !p2, p0  }
0x20: {  	[sflag:s8] =	ssyncset.s32 @!p0 $0xFFFFF086;
	s6 =	sadd.s32 @!p0 s3, s7;
	s7 =	simm.s32 @!p0 $0x108  }
0x21: {  	s3 =	sadd.s32 s3, s9;
	s6 =	sadd.s32 @!p0 $0x88, s6;
	s7 =	simm.s32 @p2 $0x1082  }
0x22: {  	[simem:s7], [sflag:s8] =	dma.local @!p0 [hbm:s6], $0xF7A  }
0x23: {  	s9 =	sor.u32 $0xD0000000, s2;
	s6 =	simm.s32 $0x108;
	_ =	swait.ge @!p0 [sflag:s8], $0x0  }
0x24: {  	s3 =	sadd.s32 $0x88, s3;
	s6 =	simm.s32 @!p1 $0x1082;
	[sflag:s4] =	ssyncset.s32 $0xFFFFF086  }
0x25: {  	[simem:s6], [sflag:s4] =	dma.local [hbm:s3], $0xF7A  }
0x26: {  	[smem:$0x3F9F] =	sst s1;
	(tag) =	ssettag s2;
	_ =	strace s9  }
0x27: {  	s1 =	sld [smem:$0x3FAF]  }
0x28: {  	s2 =	sld [smem:$0x3FB0]  }
0x29: {  	s4 =	sld [smem:$0x3FB2]  }
0x2a: {  	p0 =	seq.s32 s5, $0x0;
	s5 =	sld [smem:$0x3FB3]  }
0x2b: {  	s6 =	sld [smem:$0x3FB4]  }
0x2c: {  	s7 =	sld [smem:$0x3FB5]  }
0x2d: {  	s3 =	simm.s32 $0x108;
	s8 =	sld [smem:$0x3FB6]  }
0x2e: {  	s3 =	simm.s32 @!p0 $0x1082;
	s9 =	sld [smem:$0x3FB7]  }
0x2f: {  	lr =	sadd.s32 s0, s3;
	s0 =	sld [smem:$0x3FAE]  }
0x30: {  	s3 =	sld [smem:$0x3FB1]  }
0x31: {  	[smem:$0x3FBA] =	sst s10  }
0x32: {  	s10 =	sld [smem:$0x3FB8];
	_ =	sdelay $0x3  }
0x33: {  	p0 =	seq.s32 s10, $0x1;
	s10 =	sld [smem:$0x3FBA];
	_ =	sdelay $0x3  }
0x34: {  	[smem:$0x3FBA] =	sst s10  }
0x35: {  	s10 =	sld [smem:$0x3FB9];
	_ =	sdelay $0x3  }
0x36: {  	p1 =	seq.s32 s10, $0x1;
	s10 =	sld [smem:$0x3FBA];
	_ =	sdelay $0x3  }
0x37: {  	[smem:$0x3FBA] =	sst s10  }
0x38: {  	s10 =	sld [smem:$0x3FBB]  }
0x39: {  	_ = 	snop;
	(pc) =	sbr.ind lr, $3  }
0x3a: {  	_ = 	snop  }
0x3b: {  	_ = 	snop  }
0x3c: {  	p2 =	seq.s32 s10, $0x1;
	s10 =	sld [smem:$0x3FBA]  }
0x3d: {  	_ =	shalt  }
0x3e: {  	_ =	shalt  }
0x3f: {  	_ =	shalt  }
0x40: {  	_ =	shalt  }
0x41: {  	_ =	shalt  }
0x42: {  	_ =	shalt  }
0x43: {  	_ =	shalt  }
0x44: {  	_ =	shalt  }
0x45: {  	_ =	shalt  }
0x46: {  	_ =	shalt  }
0x47: {  	_ =	shalt  }
0x48: {  	_ =	shalt  }
0x49: {  	_ =	shalt  }
0x4a: {  	_ =	shalt  }
0x4b: {  	_ =	shalt  }
0x4c: {  	_ =	shalt  }
0x4d: {  	_ =	shalt  }
0x4e: {  	_ =	shalt  }
0x4f: {  	_ =	shalt  }
0x50: {  	_ =	shalt  }
0x51: {  	_ =	shalt  }
0x52: {  	_ =	shalt  }
0x53: {  	_ =	shalt  }
0x54: {  	_ =	shalt  }
0x55: {  	_ =	shalt  }
0x56: {  	_ =	shalt  }
0x57: {  	_ =	shalt  }
0x58: {  	_ =	shalt  }
0x59: {  	_ =	shalt  }
0x5a: {  	_ =	shalt  }
0x5b: {  	_ =	shalt  }
0x5c: {  	_ =	shalt  }
0x5d: {  	_ =	shalt  }
0x5e: {  	_ =	shalt  }
0x5f: {  	_ =	shalt  }
0x60: {  	_ =	shalt  }
0x61: {  	_ =	shalt  }
0x62: {  	_ =	shalt  }
0x63: {  	_ =	shalt  }
0x64: {  	_ =	shalt  }
0x65: {  	_ =	shalt  }
0x66: {  	_ =	shalt  }
0x67: {  	_ =	shalt  }
0x68: {  	_ =	shalt  }
0x69: {  	_ =	shalt  }
0x6a: {  	_ =	shalt  }
0x6b: {  	_ =	shalt  }
0x6c: {  	_ =	shalt  }
0x6d: {  	_ =	shalt  }
0x6e: {  	_ =	shalt  }
0x6f: {  	_ =	shalt  }
0x70: {  	_ =	shalt  }
0x71: {  	_ =	shalt  }
0x72: {  	_ =	shalt  }
0x73: {  	_ =	shalt  }
0x74: {  	_ =	shalt  }
0x75: {  	_ =	shalt  }
0x76: {  	_ =	shalt  }
0x77: {  	_ =	shalt  }
0x78: {  	_ =	shalt  }
0x79: {  	_ =	shalt  }
0x7a: {  	_ =	shalt  }
0x7b: {  	_ =	shalt  }
0x7c: {  	_ =	shalt  }
0x7d: {  	_ =	shalt  }
0x7e: {  	_ =	shalt  }
0x7f: {  	_ =	shalt  }
0x80: {  	_ =	shalt  }
0x81: {  	_ =	shalt  }
0x82: {  	_ =	shalt  }
0x83: {  	_ =	shalt  }
0x84: {  	_ =	shalt  }
0x85: {  	_ =	shalt  }
0x86: {  	_ =	shalt  }
0x87: {  	_ =	shalt  }
.Lfunc_end0:
.L_simem_size_0:
called_computation.3_lowered:
.L_overlay_start_0:
0x88: {  	s2 =	sld [smem:$0x3FD9]  }
0x89: {  	s3 =	sld [smem:$0x3FFE];
	_ =	sdelay $0x1  }
0x8a: {  	s1 =	srdreg.scid  }
0x8b: {  	s0 =	sand.u32 $0x1, s1  }
0x8c: {  	s17 =	sshll.u32 s0, $0xA;
	s2 =	sadd.s32 s3, s2  }
0x8d: {  	s2 =	sadd.s32 s2, s17  }
0x8e: {  	[smem:$0x3FC6] =	sst s2  }
0x8f: {  	_ = 	snop  }
0x90: {  	s18 =	sld [smem:$0x3FD0];
	(tm) =	ssettm $0x1  }
0x91: {  	s19 =	sld [smem:$0x3FFB];
	_ =	sdelay $0x3  }
0x92: {  	_ =	strace s19  }
0x93: {  	s2 =	sld [smem:$0x3FFC];
	_ =	sdelay $0x3  }
0x94: {  	_ =	strace s2  }
0x95: {  	s2 =	sld [smem:$0x3FFD];
	_ =	sdelay $0x3  }
0x96: {  	_ =	strace s2  }
0x97: {  	_ =	strace $0x8FFFFFFF  }
0x98: {  	s20 =	sld [smem:$0x3FDB];
	_ =	sdelay $0x1  }
0x99: {  	s4 =	simm.s32 $_scs_section_size  }
0x9a: {  	s5 =	simm.s32 $_size__tile_overlayer_lowered;
	s6 =	simm.s32 $_tile_overlayer_lowered  }
0x9b: {  	s7 =	simm.s32 $0x1BFF;
	s21 =	sshll.u32 s6, $0x1;
	s4 =	sadd.s32 s4, s20  }
0x9c: {  	s22 =	simm.s32 $0x0;
	s5 =	sshll.u32 s5, $0x1;
	s6 =	sadd.s32 s21, s4  }
0x9d: {  	[timem:s22], [sflag:s7] =	dma.local [hbm:s6], s5  }
0x9e: {  	_ =	swait.ge [sflag:s7], s5  }
0x9f: {  	s5 =	ssub.s32 $0x0, s5;
	[sflag:s7] =	ssyncset.done $0x0  }
0xa0: {  	[sflag:s7] =	ssyncadd.s32 s5;
	_ =	sdelay $0x1  }
0xa1: {  	s23 =	simm.s32 $0x1B8B  }
0xa2: {  	_ =	swait.ge [sflag:s23], $0x1  }
0xa3: {  	[sflag:s23] =	ssyncset.done $0x0  }
0xa4: {  	[sflag:s23] =	ssyncadd.s32 $0xFFFFFFFF  }
0xa5: {  	s5 =	sld [smem:$0x0]  }
0xa6: {  	s6 =	sand.u32 $0xFFFFFFFE, s1  }
0xa7: {  	p0 =	sne.s32 s1, s6  }
0xa8: {  	s6 =	sshll.u32 @p0 s6, $0xE  }
0xa9: {  	s6 =	sadd.s32 @p0 $0x11B8D, s6;
	s7 =	sshll.u32 @p0 s5, $0x11  }
0xaa: {  	s6 =	sor.u32 @p0 s7, s6  }
0xab: {  	[sflag:s6] =	ssyncadd.remote.s32 @p0 $0x1;
	_ =	sdelay $0x1  }
0xac: {  	s6 =	simm.s32 @p0 $0x1B8D  }
0xad: {  	_ =	swait.eq @p0 [sflag:s6], $0x1  }
0xae: {  	[sflag:s6] =	ssyncadd.s32 @p0 $0xFFFFFFFF  }
0xaf: {  	s7 =	sshll.u32 @!p0 s1, $0xE  }
0xb0: {  	s7 =	sor.u32 @!p0 $0x4000, s7;
	s6 =	simm.s32 @!p0 $0x1B8D  }
0xb1: {  	s5 =	sshll.u32 @!p0 s5, $0x11;
	s7 =	sadd.s32 @!p0 $0x11B8D, s7;
	_ =	swait.eq @!p0 [sflag:s6], $0x1  }
0xb2: {  	s5 =	sor.u32 @!p0 s5, s7;
	[sflag:s6] =	ssyncadd.s32 @!p0 $0xFFFFFFFF  }
0xb3: {  	s25 =	simm.s32 $0x1B8E;
	s24 =	sld [smem:$0x3FFE];
	[sflag:s5] =	ssyncadd.remote.s32 @!p0 $0x1  }
0xb4: {  	s26 =	simm.s32 $execute0_lowered;
	[smem:$0x3FD2] =	sst s25  }
0xb5: {  	s6 =	sshll.u32 s26, $0x1;
	_ =	strace $0x8000004F;
	[dreg:$0x1] =	wrdreg $0xFFFFFFFF  }
0xb6: {  	s28 =	simm.s32 $_size_execute0_lowered;
	s4 =	sadd.s32 s4, s6;
	[dreg:$0x0] =	wrdreg $0x0  }
0xb7: {  	s6 =	sshll.u32 s28, $0x1;
	[dreg:$0x2] =	wrdreg s4  }
0xb8: {  	[dreg:$0x3] =	wrdreg s6  }
0xb9: {  	[dreg:$0x4] =	wrdreg $0xC0  }
0xba: {  	_ =	task [dreg:s22], $0x5FFFF  }
0xbb: {  	[dreg:$0x1] =	wrdreg $0xFFFFFFFF  }
0xbc: {  	[dreg:$0x0] =	wrdreg $0x60  }
0xbd: {  	[dreg:$0x2] =	wrdreg s24  }
0xbe: {  	[dreg:$0x3] =	wrdreg s18  }
0xbf: {  	[dreg:$0x4] =	wrdreg $0xC  }
0xc0: {  	_ =	task.clear_ibuf [dreg:s22], $0x5FFFF;
	_ =	strace $0x9000004F  }
0xc1: {  	s29 =	simm.s32 $0xC;
	_ =	strace $0x80000051  }
0xc2: {  	_ =	swait.ge [sflag:s29], $0x1  }
0xc3: {  	[sflag:s29] =	ssyncadd.s32 $0xFFFFFFFF  }
0xc4: {  	_ =	strace $0x90000051  }
0xc5: {  	_ =	sfence  }
0xc6: {  	s30 =	sld [smem:$0x0];
	_ =	sdelay $0x2  }
0xc7: {  	s31 =	sshll.u32 s1, $0xD;
	s1 =	sshrl.u32 s1, $0x2  }
0xc8: {  	s4 =	sand.u32 $0x4000, s31;
	s1 =	sadd.s32 s1, s30  }
0xc9: {  	s0 =	sor.u32 s4, s0;
	s1 =	sshll.u32 s1, $0x11  }
0xca: {  	s0 =	sor.u32 s1, s0  }
0xcb: {  	s0 =	sadd.s32 $0x8F2B, s0  }
0xcc: {  	[sflag:s0] =	ssyncadd.remote.s32 $0x1  }
0xcd: {  	_ =	sfence.sel $0xFFFF  }
0xce: {  	[dreg:$0x0] =	wrdreg $0xFFFFFFFF;
	(pc) =	sbr.abs _section_cstart, $3  }
0xcf: {  	[dreg:$0x1] =	wrdreg $0xFFFFFFFF  }
0xd0: {  	_ =	task.clear_ibuf [dreg:s22], $0x2FFFF;
	_ =	strace $0x9FFFFFFF  }
0xd1: {  	(tm) =	ssettm $0x7FFFFFFF  }
tec
execute0_lowered:
.L_overlay_start_1:
0x0: {  	(tag) =	ssettag $0x1  }
0x1: {  	s6 =	rddreg [dreg:$0x0]  }
0x2: {  	s1 =	srdreg.scid;
	s0 =	stileid.u32  }
0x3: {  	s2 =	rddreg [dreg:$0x1];
	s3 =	simm.s32 $0x0;
	s11 =	simm.s32 $0x5  }
0x4: {  	s12 =	simm.s32 $0x320;
	s13 =	simm.s32 $0x640;
	s14 =	simm.s32 $0x6A40  }
0x5: {  	s15 =	simm.s32 $0x1;
	s16 =	simm.s32 $0x20;
	s17 =	simm.s32 $0x80  }
0x6: {  	s18 =	simm.s32 $0x2;
	s7 =	sand.u32 $0x1, s1;
	s4 =	sshll.u32 s0, $0x1  }
0x7: {  	s19 =	simm.s32 $0x4;
	s1 =	rddreg [dreg:$0x2];
	s4 =	sor.u32 s7, s4  }
0x8: {  	s20 =	simm.s32 $0x0;
	[smem:$0x7FF] =	sst s3;
	s4 =	smul.u32 $0x1900, s4  }
0x9: {  	s5 =	sadd.s32 $0x1200, s6;
	s6 =	sadd.s32 $0xF43600, s6;
	s7 =	ssub.s32 $0x2, s7  }
0xa: {  	_ =	strace $0x80000050;
	s9 =	sshrl.u32 s7, $0x1;
	s8 =	sshrl.u32 s4, $0x3  }
0xb: {  	s10 =	ssub.s32 s7, s9;
	s9 =	sadd.s32 $0x3200, s2;
	s8 =	sadd.s32 s5, s8  }
0xc: {  	s10 =	smax.u32 s10, $0x1;
	s7 =	sadd.s32 $0x12C00, s8;
	s8 =	sadd.s32 $0x96640, s4  }
.LBB2_1:
0xd: {  	[tilespmem:s3], [sflag:$0x5] =	stream.linear.gather [hbm4b:s7+s3], $0x320, $0x38;
	[tilespmem:$0xCE40] =	vst v63  }
0xe: {  	_ =	swait.ge [sflag:s11], $0x320  }
0xf: {  	[sflag:s11] =	ssyncset.done $0x0  }
0x10: {  	s21 =	simm.s32 $0x0;
	[sflag:s11] =	ssyncadd.s32 $0xFFFFFCE0  }
0x11: {  	[tilespmem:s13], [sflag:$0x1] =	stream.indirect.gather [hbm4b:s6+s12], $0x20, s3, s12, $0xb8;
	[tilespmem:$0xCE40] =	vst v63  }
.LBB2_2:
0x12: {  	s23 =	smul.u32 $0x640, s21;
	_ =	sdelay $0x1  }
0x13: {  	s22 =	sadd.s32 s4, s23  }
0x14: {  	s24 =	sshrl.u32 s22, $0x3  }
0x15: {  	s24 =	sadd.s32 s5, s24  }
0x16: {  	s25 =	simm.s32 $0x0;
	s24 =	sadd.s32 $0x12C64, s24  }
0x17: {  	[tilespmem:s12], [sflag:$0x5] =	stream.linear.gather [hbm4b:s24+s25], $0x320, $0x38;
	[tilespmem:$0xCE40] =	vst v63  }
0x18: {  	_ =	swait.ge [sflag:s11], $0x320  }
0x19: {  	[sflag:s11] =	ssyncset.done $0x0  }
0x1a: {  	[sflag:s11] =	ssyncadd.s32 $0xFFFFFCE0  }
0x1b: {  	[tilespmem:s14], [sflag:$0x2] =	stream.indirect.gather [hbm4b:s6+s12], $0x20, s12, s12, $0xb8;
	[tilespmem:$0xCE40] =	vst v63  }
0x1c: {  	_ =	swait.ge [sflag:s15], $0x6400  }
0x1d: {  	[sflag:s15] =	ssyncset.done $0x0  }
0x1e: {  	s24 =	simm.s32 $0x0;
	[sflag:s15] =	ssyncadd.s32 $0xFFFF9C00  }
0x1f: {  	s25 =	simm.s32 $0x80;
	v0 =	vld [tilespmem:s24+$0x640]  }
.LBB2_3:
0x20: {  	p0 =	sne.s32 s25, $0x18F80;
	v1 =	vld [tilespmem:s24+$0x650];
	_ =	sdelay $0x2  }
.Ltmp0:
0x21: {  	(pc) =	sbr.rel @p0 .LBB2_3-.Ltmp0, $4  }
0x22: {  	v0 =	vmul.f32 $5.656854150e+00, v0  }
0x23: {  	v1 =	vmul.f32 $5.656854150e+00, v1  }
0x24: {  	s26 =	sshra.s32 s25, $0x2;
	[tilespmem:s24+$0x640] =	vst v0  }
0x25: {  	s25 =	sadd.s32 $0x80, s25;
	v0 =	vld [tilespmem:s26+$0x640];
	[tilespmem:s24+$0x650] =	vst v1;
	s24 =	smov.u32 s26  }
0x26: {  	v1 =	vld [tilespmem:s24+$0x650];
	_ =	sdelay $0x3  }
0x27: {  	v0 =	vmul.f32 $5.656854150e+00, v0  }
0x28: {  	v1 =	vmul.f32 $5.656854150e+00, v1  }
0x29: {  	s22 =	sshll.u32 s22, $0x4;
	p0 =	seq.s32 s21, $0x3;
	[tilespmem:s24+$0x640] =	vst v0  }
0x2a: {  	s31 =	sadd.s32 s2, s22;
	[tilespmem:s24+$0x650] =	vst v1;
	s24 =	simm.s32 @p0 $0x3  }
0x2b: {  	[hbm4b:s31+s16] =	stream.strided.scatter [tilespmem:s13], [sflag:$0x3], $0x6400, s17, s16, $0x38;
	[tilespmem:$0xCE40] =	vst v63  }
0x2c: {  	s23 =	sadd.s32 @!p0 s23, s8;
	_ =	swait.ge @p0 [sflag:s24], $0x6400  }
0x2d: {  	s23 =	sshrl.u32 @!p0 s23, $0x3;
	[sflag:s24] =	ssyncset.done @p0 $0x0  }
0x2e: {  	s23 =	sadd.s32 @!p0 s5, s23;
	[sflag:s24] =	ssyncadd.s32 @p0 $0xFFFF9C00;
	s24 =	simm.s32 @!p0 $0x0  }
0x2f: {  	[tilespmem:s24], [sflag:$0x5] =	stream.linear.gather @!p0 [hbm4b:s23+s24], $0x320, $0x38;
	[tilespmem:$0xCE40] =	vst v63  }
0x30: {  	s23 =	simm.s32 @!p0 $0x5  }
0x31: {  	_ =	swait.ge @!p0 [sflag:s23], $0x320  }
0x32: {  	[sflag:s23] =	ssyncset.done @!p0 $0x0  }
0x33: {  	[sflag:s23] =	ssyncadd.s32 @!p0 $0xFFFFFCE0;
	s23 =	simm.s32 @!p0 $0x3  }
0x34: {  	_ =	swait.ge @!p0 [sflag:s23], $0x6400  }
0x35: {  	[sflag:s23] =	ssyncset.done @!p0 $0x0  }
0x36: {  	s25 =	simm.s32 @!p0 $0x640;
	[sflag:s23] =	ssyncadd.s32 @!p0 $0xFFFF9C00;
	s23 =	simm.s32 @!p0 $0x320  }
0x37: {  	[tilespmem:s25], [sflag:$0x1] =	stream.indirect.gather @!p0 [hbm4b:s6+s23], $0x20, s24, s23, $0xb8;
	[tilespmem:$0xCE40] =	vst v63  }
0x38: {  	_ =	swait.ge [sflag:s18], $0x6400  }
0x39: {  	[sflag:s18] =	ssyncset.done $0x0  }
0x3a: {  	s23 =	simm.s32 $0x0;
	[sflag:s18] =	ssyncadd.s32 $0xFFFF9C00  }
0x3b: {  	s24 =	simm.s32 $0x80;
	v0 =	vld [tilespmem:s23+$0x6A40]  }
.LBB2_5:
0x3c: {  	p0 =	sne.s32 s24, $0x18F80;
	v1 =	vld [tilespmem:s23+$0x6A50];
	_ =	sdelay $0x2  }
.Ltmp1:
0x3d: {  	(pc) =	sbr.rel @p0 .LBB2_5-.Ltmp1, $4  }
0x3e: {  	v0 =	vmul.f32 $5.656854150e+00, v0  }
0x3f: {  	v1 =	vmul.f32 $5.656854150e+00, v1  }
0x40: {  	s25 =	sshra.s32 s24, $0x2;
	[tilespmem:s23+$0x6A40] =	vst v0  }
0x41: {  	s24 =	sadd.s32 $0x80, s24;
	v0 =	vld [tilespmem:s25+$0x6A40];
	[tilespmem:s23+$0x6A50] =	vst v1;
	s23 =	smov.u32 s25  }
0x42: {  	v1 =	vld [tilespmem:s23+$0x6A50];
	_ =	sdelay $0x3  }
0x43: {  	v0 =	vmul.f32 $5.656854150e+00, v0  }
0x44: {  	s21 =	sadd.s32 $0x1, s21;
	v1 =	vmul.f32 $5.656854150e+00, v1  }
0x45: {  	p0 =	sne.s32 s21, $0x4;
	[tilespmem:s23+$0x6A40] =	vst v0  }
.Ltmp2:
0x46: {  	s22 =	sadd.s32 s22, s9;
	[tilespmem:s23+$0x6A50] =	vst v1;
	(pc) =	sbr.rel @p0 .LBB2_2-.Ltmp2, $4  }
0x47: {  	[hbm4b:s22+s16] =	stream.strided.scatter [tilespmem:s14], [sflag:$0x4], $0x6400, s17, s16, $0x38;
	[tilespmem:$0xCE40] =	vst v63  }
0x48: {  	_ =	swait.ge [sflag:s19], $0x6400  }
0x49: {  	[sflag:s19] =	ssyncset.done $0x0  }
0x4a: {  	[sflag:s19] =	ssyncadd.s32 $0xFFFF9C00  }
0x4b: {  	s20 =	sadd.s32 $0x1, s20  }
0x4c: {  	p0 =	sne.s32 s20, s10  }
.Ltmp3:
0x4d: {  	_ = 	snop;
	(pc) =	sbr.rel @p0 .LBB2_1-.Ltmp3, $1  }
0x4e: {  	_ =	sdelay $0x3  }
0x4f: {  	_ =	sfence.sel $0x180000  }
0x50: {  	[bflag:$0x0] =	sbarrier.arrive $0xFFFF  }
0x51: {  	p0 =	sne.s32 s0, $0x0;
	_ =	strace $0x90000050  }
0x52: {  	s0 =	sadd.s32 @!p0 $0x100000, s1;
	[bflag:$0x2] =	sbarrier.arrive $0xFFFF  }
0x53: {  	[sflag:s0] =	ssyncadd.tile.s32 @!p0 $0x1;
	_ =	shalt  }
.Lfunc_end2:
_tile_overlayer_lowered:
.L_overlay_start_2:
0x54: {  	(tag) =	ssettag $0x2  }
0x55: {  	s0 =	rddreg [dreg:$0x0];
	s2 =	stileid.u32  }
0x56: {  	s1 =	rddreg [dreg:$0x1];
	p0 =	sne.s32 s2, $0x0  }
0x57: {  	s3 =	rddreg [dreg:$0x2];
	[bflag:$0x3] =	sbarrier.arrive $0xFFFF;
	s2 =	simm.s32 @!p0 $0x1C05  }
0x58: {  	[timem:s3], [sflag:s2] =	dma.local @!p0 [hbm:s0], s1  }
0x59: {  	s0 =	simm.s32 @!p0 $0x5  }
0x5a: {  	_ =	swait.ge @!p0 [sflag:s0], s1  }
0x5b: {  	s1 =	ssub.s32 @!p0 $0x0, s1;
	[sflag:s0] =	ssyncset.done @!p0 $0x0  }
0x5c: {  	[sflag:s0] =	ssyncadd.s32 @!p0 s1  }
0x5d: {  	[bflag:$0x3] =	sbarrier.arrive $0xFFFF  }
0x5e: {  	_ =	shalt  }

// kernel: kernel.6.cloned.1.call-start
scs
__scs_entry_jumppad:
0x0: {  	(pc) =	sbr.rel $0x88, $3  }
0x1: {  	(tag) =	ssettag $0x0;
	lr =	simm.s32 $0x1  }
0x2: {  	[smem:$0x3F9F] =	sst lr;
	_ =	strace $0xD0000000  }
0x3: {  	_ = 	snop  }
0x4: {  	_ = 	snop  }
0x5: {  	_ = 	snop  }
0x6: {  	_ = 	snop  }
0x7: {  	_ = 	snop  }
__scs_overlays_trampoline_lowered:
0x8: {  	[smem:$0x3FAE] =	sst s0  }
0x9: {  	[smem:$0x3FAF] =	sst s1  }
0xa: {  	[smem:$0x3FB0] =	sst s2  }
0xb: {  	[smem:$0x3FB1] =	sst s3  }
0xc: {  	[smem:$0x3FB2] =	sst s4  }
0xd: {  	[smem:$0x3FB3] =	sst s5  }
0xe: {  	[smem:$0x3FB4] =	sst s6  }
0xf: {  	[smem:$0x3FB5] =	sst s7  }
0x10: {  	[smem:$0x3FB6] =	sst s8  }
0x11: {  	[smem:$0x3FB7] =	sst s9;
	s0 =	simm.s32 @!p0 $0x0  }
0x12: {  	s1 =	sld [smem:$0x3F9D];
	s0 =	simm.s32 @p0 $0x1  }
0x13: {  	[smem:$0x3FB8] =	sst s0;
	s0 =	simm.s32 @!p1 $0x0  }
0x14: {  	s2 =	sld [smem:$0x3F9C];
	s0 =	simm.s32 @p1 $0x1  }
0x15: {  	[smem:$0x3FB9] =	sst s0;
	s0 =	simm.s32 @!p2 $0x0  }
0x16: {  	s3 =	sld [smem:$0x3FDB];
	s0 =	simm.s32 @p2 $0x1  }
0x17: {  	s4 =	simm.s32 $0x1BF5;
	[smem:$0x3FBB] =	sst s0  }
0x18: {  	s0 =	sld [smem:$0x3F9E];
	_ =	swait.ge [sflag:s4], $0x0  }
0x19: {  	s7 =	sld [smem:$0x3F9F]  }
0x1a: {  	s8 =	sadd.s32 $0xFFFFE003, lr  }
0x1b: {  	s9 =	sadd.s32 $0xFFFFFEF7, lr;
	s5 =	simm.s32 $0xFFFFFFFF;
	p2 =	slt.u32 s8, $0xFFFFF086  }
0x1c: {  	p1 =	slt.u32 s9, $0xF7A;
	s5 =	simm.s32 @!p2 $0x0  }
0x1d: {  	s5 =	simm.s32 @p1 $0x1;
	p0 =	seq.s32 s7, s2  }
0x1e: {  	s7 =	smul.u32 @!p0 $0xF7A, s2;
	p2 =	seq.s32 @!p0 s5, $0x0  }
0x1f: {  	s9 =	smul.u32 $0xF7A, s1;
	s8 =	simm.s32 @!p0 $0x1BF5;
	p2 =	por !p2, p0  }
0x20: {  	[sflag:s8] =	ssyncset.s32 @!p0 $0xFFFFF086;
	s6 =	sadd.s32 @!p0 s3, s7;
	s7 =	simm.s32 @!p0 $0x108  }
0x21: {  	s3 =	sadd.s32 s3, s9;
	s6 =	sadd.s32 @!p0 $0x88, s6;
	s7 =	simm.s32 @p2 $0x1082  }
0x22: {  	[simem:s7], [sflag:s8] =	dma.local @!p0 [hbm:s6], $0xF7A  }
0x23: {  	s9 =	sor.u32 $0xD0000000, s2;
	s6 =	simm.s32 $0x108;
	_ =	swait.ge @!p0 [sflag:s8], $0x0  }
0x24: {  	s3 =	sadd.s32 $0x88, s3;
	s6 =	simm.s32 @!p1 $0x1082;
	[sflag:s4] =	ssyncset.s32 $0xFFFFF086  }
0x25: {  	[simem:s6], [sflag:s4] =	dma.local [hbm:s3], $0xF7A  }
0x26: {  	[smem:$0x3F9F] =	sst s1;
	(tag) =	ssettag s2;
	_ =	strace s9  }
0x27: {  	s1 =	sld [smem:$0x3FAF]  }
0x28: {  	s2 =	sld [smem:$0x3FB0]  }
0x29: {  	s4 =	sld [smem:$0x3FB2]  }
0x2a: {  	p0 =	seq.s32 s5, $0x0;
	s5 =	sld [smem:$0x3FB3]  }
0x2b: {  	s6 =	sld [smem:$0x3FB4]  }
0x2c: {  	s7 =	sld [smem:$0x3FB5]  }
0x2d: {  	s3 =	simm.s32 $0x108;
	s8 =	sld [smem:$0x3FB6]  }
0x2e: {  	s3 =	simm.s32 @!p0 $0x1082;
	s9 =	sld [smem:$0x3FB7]  }
0x2f: {  	lr =	sadd.s32 s0, s3;
	s0 =	sld [smem:$0x3FAE]  }
0x30: {  	s3 =	sld [smem:$0x3FB1]  }
0x31: {  	[smem:$0x3FBA] =	sst s10  }
0x32: {  	s10 =	sld [smem:$0x3FB8];
	_ =	sdelay $0x3  }
0x33: {  	p0 =	seq.s32 s10, $0x1;
	s10 =	sld [smem:$0x3FBA];
	_ =	sdelay $0x3  }
0x34: {  	[smem:$0x3FBA] =	sst s10  }
0x35: {  	s10 =	sld [smem:$0x3FB9];
	_ =	sdelay $0x3  }
0x36: {  	p1 =	seq.s32 s10, $0x1;
	s10 =	sld [smem:$0x3FBA];
	_ =	sdelay $0x3  }
0x37: {  	[smem:$0x3FBA] =	sst s10  }
0x38: {  	s10 =	sld [smem:$0x3FBB]  }
0x39: {  	_ = 	snop;
	(pc) =	sbr.ind lr, $3  }
0x3a: {  	_ = 	snop  }
0x3b: {  	_ = 	snop  }
0x3c: {  	p2 =	seq.s32 s10, $0x1;
	s10 =	sld [smem:$0x3FBA]  }
0x3d: {  	_ =	shalt  }
0x3e: {  	_ =	shalt  }
0x3f: {  	_ =	shalt  }
0x40: {  	_ =	shalt  }
0x41: {  	_ =	shalt  }
0x42: {  	_ =	shalt  }
0x43: {  	_ =	shalt  }
0x44: {  	_ =	shalt  }
0x45: {  	_ =	shalt  }
0x46: {  	_ =	shalt  }
0x47: {  	_ =	shalt  }
0x48: {  	_ =	shalt  }
0x49: {  	_ =	shalt  }
0x4a: {  	_ =	shalt  }
0x4b: {  	_ =	shalt  }
0x4c: {  	_ =	shalt  }
0x4d: {  	_ =	shalt  }
0x4e: {  	_ =	shalt  }
0x4f: {  	_ =	shalt  }
0x50: {  	_ =	shalt  }
0x51: {  	_ =	shalt  }
0x52: {  	_ =	shalt  }
0x53: {  	_ =	shalt  }
0x54: {  	_ =	shalt  }
0x55: {  	_ =	shalt  }
0x56: {  	_ =	shalt  }
0x57: {  	_ =	shalt  }
0x58: {  	_ =	shalt  }
0x59: {  	_ =	shalt  }
0x5a: {  	_ =	shalt  }
0x5b: {  	_ =	shalt  }
0x5c: {  	_ =	shalt  }
0x5d: {  	_ =	shalt  }
0x5e: {  	_ =	shalt  }
0x5f: {  	_ =	shalt  }
0x60: {  	_ =	shalt  }
0x61: {  	_ =	shalt  }
0x62: {  	_ =	shalt  }
0x63: {  	_ =	shalt  }
0x64: {  	_ =	shalt  }
0x65: {  	_ =	shalt  }
0x66: {  	_ =	shalt  }
0x67: {  	_ =	shalt  }
0x68: {  	_ =	shalt  }
0x69: {  	_ =	shalt  }
0x6a: {  	_ =	shalt  }
0x6b: {  	_ =	shalt  }
0x6c: {  	_ =	shalt  }
0x6d: {  	_ =	shalt  }
0x6e: {  	_ =	shalt  }
0x6f: {  	_ =	shalt  }
0x70: {  	_ =	shalt  }
0x71: {  	_ =	shalt  }
0x72: {  	_ =	shalt  }
0x73: {  	_ =	shalt  }
0x74: {  	_ =	shalt  }
0x75: {  	_ =	shalt  }
0x76: {  	_ =	shalt  }
0x77: {  	_ =	shalt  }
0x78: {  	_ =	shalt  }
0x79: {  	_ =	shalt  }
0x7a: {  	_ =	shalt  }
0x7b: {  	_ =	shalt  }
0x7c: {  	_ =	shalt  }
0x7d: {  	_ =	shalt  }
0x7e: {  	_ =	shalt  }
0x7f: {  	_ =	shalt  }
0x80: {  	_ =	shalt  }
0x81: {  	_ =	shalt  }
0x82: {  	_ =	shalt  }
0x83: {  	_ =	shalt  }
0x84: {  	_ =	shalt  }
0x85: {  	_ =	shalt  }
0x86: {  	_ =	shalt  }
0x87: {  	_ =	shalt  }
.Lfunc_end0:
.L_simem_size_0:
called_computation_lowered:
.L_overlay_start_0:
0x88: {  	s2 =	sld [smem:$0x3FD9]  }
0x89: {  	s3 =	sld [smem:$0x3FFE];
	_ =	sdelay $0x1  }
0x8a: {  	s1 =	srdreg.scid  }
0x8b: {  	s0 =	sand.u32 $0x1, s1  }
0x8c: {  	s16 =	sshll.u32 s0, $0xA;
	s2 =	sadd.s32 s3, s2  }
0x8d: {  	s2 =	sadd.s32 s2, s16  }
0x8e: {  	[smem:$0x3FC6] =	sst s2  }
0x8f: {  	_ = 	snop  }
0x90: {  	(tm) =	ssettm $0x1  }
0x91: {  	s17 =	sld [smem:$0x3FFB];
	_ =	sdelay $0x3  }
0x92: {  	_ =	strace s17  }
0x93: {  	s2 =	sld [smem:$0x3FFC];
	_ =	sdelay $0x3  }
0x94: {  	_ =	strace s2  }
0x95: {  	s2 =	sld [smem:$0x3FFD];
	_ =	sdelay $0x3  }
0x96: {  	_ =	strace s2  }
0x97: {  	_ =	strace $0x8FFFFFFF  }
0x98: {  	s18 =	sld [smem:$0x3FDB];
	_ =	sdelay $0x1  }
0x99: {  	s19 =	simm.s32 $_scs_section_size  }
0x9a: {  	s4 =	simm.s32 $_size__tile_overlayer_lowered;
	s5 =	simm.s32 $_tile_overlayer_lowered  }
0x9b: {  	s22 =	simm.s32 $0x1BFF;
	s21 =	sshll.u32 s5, $0x1;
	s2 =	sadd.s32 s19, s18  }
0x9c: {  	s6 =	simm.s32 $0x0;
	s20 =	sshll.u32 s4, $0x1;
	s4 =	sadd.s32 s21, s2  }
0x9d: {  	[timem:s6], [sflag:s22] =	dma.local [hbm:s4], s20  }
0x9e: {  	_ =	swait.ge [sflag:s22], s20  }
0x9f: {  	s3 =	ssub.s32 $0x0, s20;
	[sflag:s22] =	ssyncset.done $0x0  }
0xa0: {  	[sflag:s22] =	ssyncadd.s32 s3;
	_ =	sdelay $0x1  }
0xa1: {  	s23 =	simm.s32 $0x1B8B  }
0xa2: {  	_ =	swait.ge [sflag:s23], $0x1  }
0xa3: {  	[sflag:s23] =	ssyncset.done $0x0  }
0xa4: {  	s25 =	simm.s32 $0x1B8E;
	s24 =	sld [smem:$0x3FFE];
	[sflag:s23] =	ssyncadd.s32 $0xFFFFFFFF  }
0xa5: {  	s26 =	simm.s32 $execute0_lowered;
	[smem:$0x3FD2] =	sst s25  }
0xa6: {  	s4 =	sshll.u32 s26, $0x1;
	_ =	strace $0x80000046;
	[dreg:$0x1] =	wrdreg $0xFFFFFFFF  }
0xa7: {  	s28 =	simm.s32 $_size_execute0_lowered;
	s2 =	sadd.s32 s2, s4;
	[dreg:$0x0] =	wrdreg $0x0  }
0xa8: {  	s4 =	sshll.u32 s28, $0x1;
	[dreg:$0x2] =	wrdreg s2  }
0xa9: {  	[dreg:$0x3] =	wrdreg s4  }
0xaa: {  	[dreg:$0x4] =	wrdreg $0xC0  }
0xab: {  	_ =	task [dreg:s6], $0x5FFFF  }
0xac: {  	[dreg:$0x1] =	wrdreg $0xFFFFFFFF  }
0xad: {  	[dreg:$0x0] =	wrdreg $0x60  }
0xae: {  	[dreg:$0x2] =	wrdreg s24  }
0xaf: {  	[dreg:$0x3] =	wrdreg $0x9  }
0xb0: {  	_ =	task.clear_ibuf [dreg:s6], $0x4FFFF;
	_ =	strace $0x90000046  }
0xb1: {  	s29 =	simm.s32 $0x9;
	_ =	strace $0x80000048  }
0xb2: {  	_ =	swait.ge [sflag:s29], $0x1  }
0xb3: {  	[sflag:s29] =	ssyncadd.s32 $0xFFFFFFFF  }
0xb4: {  	_ =	strace $0x90000048  }
0xb5: {  	_ =	sfence  }
0xb6: {  	s30 =	sld [smem:$0x0];
	_ =	sdelay $0x2  }
0xb7: {  	s31 =	sshll.u32 s1, $0xD;
	s1 =	sshrl.u32 s1, $0x2  }
0xb8: {  	s3 =	sand.u32 $0x4000, s31;
	s1 =	sadd.s32 s1, s30  }
0xb9: {  	s0 =	sor.u32 s3, s0;
	s1 =	sshll.u32 s1, $0x11  }
0xba: {  	s0 =	sor.u32 s1, s0  }
0xbb: {  	s0 =	sadd.s32 $0x8F2B, s0  }
0xbc: {  	[sflag:s0] =	ssyncadd.remote.s32 $0x1  }
0xbd: {  	_ =	sfence.sel $0xFFFF  }
0xbe: {  	[dreg:$0x0] =	wrdreg $0xFFFFFFFF;
	(pc) =	sbr.abs _section_cstart, $3  }
0xbf: {  	[dreg:$0x1] =	wrdreg $0xFFFFFFFF  }
0xc0: {  	_ =	task.clear_ibuf [dreg:s6], $0x2FFFF;
	_ =	strace $0x9FFFFFFF  }
0xc1: {  	(tm) =	ssettm $0x7FFFFFFF  }
tec
execute0_lowered:
.L_overlay_start_1:
0x0: {  	(tag) =	ssettag $0x1  }
0x1: {  	s1 =	srdreg.scid  }
0x2: {  	s0 =	stileid.u32;
	s6 =	rddreg [dreg:$0x0];
	s2 =	simm.s32 $0x0  }
0x3: {  	s11 =	simm.s32 $0x320;
	s12 =	simm.s32 $0x640;
	s13 =	simm.s32 $0x6A40  }
0x4: {  	s14 =	simm.s32 $0x1;
	s15 =	simm.s32 $0x20;
	s16 =	simm.s32 $0x80  }
0x5: {  	s17 =	simm.s32 $0x2;
	s18 =	simm.s32 $0x4;
	s19 =	simm.s32 $0x0  }
0x6: {  	s5 =	sand.u32 $0x1, s1;
	s3 =	sshll.u32 s0, $0x1;
	s1 =	rddreg [dreg:$0x1]  }
0x7: {  	[smem:$0x7FF] =	sst s2;
	s4 =	sadd.s32 $0x1200, s6;
	s3 =	sor.u32 s5, s3  }
0x8: {  	_ =	strace $0x80000047;
	s7 =	ssub.s32 $0x2, s5;
	s3 =	smul.u32 $0x1900, s3  }
0x9: {  	s5 =	sadd.s32 $0xF43600, s6;
	s6 =	sadd.s32 $0x1A200, s6;
	s8 =	sshrl.u32 s7, $0x1  }
0xa: {  	s10 =	ssub.s32 s7, s8;
	s9 =	sshrl.u32 s3, $0x3;
	s8 =	sadd.s32 $0x640, s3  }
0xb: {  	s7 =	sadd.s32 s4, s9;
	s9 =	smax.u32 s10, $0x1;
	s10 =	simm.s32 $0x5  }
.LBB2_1:
0xc: {  	[tilespmem:s2], [sflag:$0x5] =	stream.linear.gather [hbm4b:s7+s2], $0x320, $0x38;
	[tilespmem:$0xCE40] =	vst v63  }
0xd: {  	_ =	swait.ge [sflag:s10], $0x320  }
0xe: {  	[sflag:s10] =	ssyncset.done $0x0  }
0xf: {  	s20 =	simm.s32 $0x0;
	[sflag:s10] =	ssyncadd.s32 $0xFFFFFCE0  }
0x10: {  	[tilespmem:s12], [sflag:$0x1] =	stream.indirect.gather [hbm4b:s5+s11], $0x20, s2, s11, $0xb8;
	[tilespmem:$0xCE40] =	vst v63  }
.LBB2_2:
0x11: {  	s22 =	smul.u32 $0x640, s20;
	_ =	sdelay $0x1  }
0x12: {  	s23 =	sadd.s32 s3, s22  }
0x13: {  	s21 =	sadd.s32 $0x320, s23  }
0x14: {  	s24 =	sshrl.u32 s21, $0x3  }
0x15: {  	s25 =	simm.s32 $0x0;
	s24 =	sadd.s32 s4, s24  }
0x16: {  	[tilespmem:s11], [sflag:$0x5] =	stream.linear.gather [hbm4b:s24+s25], $0x320, $0x38;
	[tilespmem:$0xCE40] =	vst v63  }
0x17: {  	_ =	swait.ge [sflag:s10], $0x320  }
0x18: {  	[sflag:s10] =	ssyncset.done $0x0  }
0x19: {  	[sflag:s10] =	ssyncadd.s32 $0xFFFFFCE0  }
0x1a: {  	[tilespmem:s13], [sflag:$0x2] =	stream.indirect.gather [hbm4b:s5+s11], $0x20, s11, s11, $0xb8;
	[tilespmem:$0xCE40] =	vst v63  }
0x1b: {  	_ =	swait.ge [sflag:s14], $0x6400  }
0x1c: {  	[sflag:s14] =	ssyncset.done $0x0  }
0x1d: {  	s24 =	simm.s32 $0x0;
	[sflag:s14] =	ssyncadd.s32 $0xFFFF9C00  }
0x1e: {  	s25 =	simm.s32 $0x80;
	v0 =	vld [tilespmem:s24+$0x640]  }
.LBB2_3:
0x1f: {  	p0 =	sne.s32 s25, $0x18F80;
	v1 =	vld [tilespmem:s24+$0x650];
	_ =	sdelay $0x2  }
.Ltmp0:
0x20: {  	(pc) =	sbr.rel @p0 .LBB2_3-.Ltmp0, $4  }
0x21: {  	v0 =	vmul.f32 $5.656854150e+00, v0  }
0x22: {  	v1 =	vmul.f32 $5.656854150e+00, v1  }
0x23: {  	s26 =	sshra.s32 s25, $0x2;
	[tilespmem:s24+$0x640] =	vst v0  }
0x24: {  	s25 =	sadd.s32 $0x80, s25;
	v0 =	vld [tilespmem:s26+$0x640];
	[tilespmem:s24+$0x650] =	vst v1;
	s24 =	smov.u32 s26  }
0x25: {  	v1 =	vld [tilespmem:s24+$0x650];
	_ =	sdelay $0x3  }
0x26: {  	v0 =	vmul.f32 $5.656854150e+00, v0  }
0x27: {  	v1 =	vmul.f32 $5.656854150e+00, v1  }
0x28: {  	s23 =	sshll.u32 s23, $0x4;
	[tilespmem:s24+$0x640] =	vst v0  }
0x29: {  	p0 =	seq.s32 s20, $0x3;
	s23 =	sadd.s32 s6, s23;
	[tilespmem:s24+$0x650] =	vst v1  }
0x2a: {  	[hbm4b:s23+s15] =	stream.strided.scatter [tilespmem:s12], [sflag:$0x3], $0x6400, s16, s15, $0x38;
	[tilespmem:$0xCE40] =	vst v63  }
0x2b: {  	s23 =	simm.s32 @p0 $0x3  }
0x2c: {  	s22 =	sadd.s32 @!p0 s22, s8;
	_ =	swait.ge @p0 [sflag:s23], $0x6400  }
0x2d: {  	s22 =	sshrl.u32 @!p0 s22, $0x3;
	[sflag:s23] =	ssyncset.done @p0 $0x0  }
0x2e: {  	s22 =	sadd.s32 @!p0 s4, s22;
	[sflag:s23] =	ssyncadd.s32 @p0 $0xFFFF9C00;
	s23 =	simm.s32 @!p0 $0x0  }
0x2f: {  	[tilespmem:s23], [sflag:$0x5] =	stream.linear.gather @!p0 [hbm4b:s22+s23], $0x320, $0x38;
	[tilespmem:$0xCE40] =	vst v63  }
0x30: {  	s22 =	simm.s32 @!p0 $0x5  }
0x31: {  	_ =	swait.ge @!p0 [sflag:s22], $0x320  }
0x32: {  	[sflag:s22] =	ssyncset.done @!p0 $0x0  }
0x33: {  	[sflag:s22] =	ssyncadd.s32 @!p0 $0xFFFFFCE0;
	s22 =	simm.s32 @!p0 $0x3  }
0x34: {  	_ =	swait.ge @!p0 [sflag:s22], $0x6400  }
0x35: {  	[sflag:s22] =	ssyncset.done @!p0 $0x0  }
0x36: {  	s24 =	simm.s32 @!p0 $0x640;
	[sflag:s22] =	ssyncadd.s32 @!p0 $0xFFFF9C00;
	s22 =	simm.s32 @!p0 $0x320  }
0x37: {  	[tilespmem:s24], [sflag:$0x1] =	stream.indirect.gather @!p0 [hbm4b:s5+s22], $0x20, s23, s22, $0xb8;
	[tilespmem:$0xCE40] =	vst v63  }
0x38: {  	_ =	swait.ge [sflag:s17], $0x6400  }
0x39: {  	[sflag:s17] =	ssyncset.done $0x0  }
0x3a: {  	s22 =	simm.s32 $0x0;
	[sflag:s17] =	ssyncadd.s32 $0xFFFF9C00  }
0x3b: {  	s23 =	simm.s32 $0x80;
	v0 =	vld [tilespmem:s22+$0x6A40]  }
.LBB2_5:
0x3c: {  	p0 =	sne.s32 s23, $0x18F80;
	v1 =	vld [tilespmem:s22+$0x6A50];
	_ =	sdelay $0x2  }
.Ltmp1:
0x3d: {  	(pc) =	sbr.rel @p0 .LBB2_5-.Ltmp1, $4  }
0x3e: {  	v0 =	vmul.f32 $5.656854150e+00, v0  }
0x3f: {  	v1 =	vmul.f32 $5.656854150e+00, v1  }
0x40: {  	s24 =	sshra.s32 s23, $0x2;
	[tilespmem:s22+$0x6A40] =	vst v0  }
0x41: {  	s23 =	sadd.s32 $0x80, s23;
	v0 =	vld [tilespmem:s24+$0x6A40];
	[tilespmem:s22+$0x6A50] =	vst v1;
	s22 =	smov.u32 s24  }
0x42: {  	v1 =	vld [tilespmem:s22+$0x6A50];
	_ =	sdelay $0x3  }
0x43: {  	v0 =	vmul.f32 $5.656854150e+00, v0  }
0x44: {  	s21 =	sshll.u32 s21, $0x4;
	s20 =	sadd.s32 $0x1, s20;
	v1 =	vmul.f32 $5.656854150e+00, v1  }
0x45: {  	s21 =	sand.u32 $0x1FFFFE00, s21;
	p0 =	sne.s32 s20, $0x4;
	[tilespmem:s22+$0x6A40] =	vst v0  }
.Ltmp2:
0x46: {  	s21 =	sadd.s32 s6, s21;
	[tilespmem:s22+$0x6A50] =	vst v1;
	(pc) =	sbr.rel @p0 .LBB2_2-.Ltmp2, $4  }
0x47: {  	[hbm4b:s21+s15] =	stream.strided.scatter [tilespmem:s13], [sflag:$0x4], $0x6400, s16, s15, $0x38;
	[tilespmem:$0xCE40] =	vst v63  }
0x48: {  	_ =	swait.ge [sflag:s18], $0x6400  }
0x49: {  	[sflag:s18] =	ssyncset.done $0x0  }
0x4a: {  	[sflag:s18] =	ssyncadd.s32 $0xFFFF9C00  }
0x4b: {  	s19 =	sadd.s32 $0x1, s19  }
0x4c: {  	p0 =	sne.s32 s19, s9  }
.Ltmp3:
0x4d: {  	_ = 	snop;
	(pc) =	sbr.rel @p0 .LBB2_1-.Ltmp3, $1  }
0x4e: {  	_ =	sdelay $0x3  }
0x4f: {  	_ =	sfence.sel $0x180000  }
0x50: {  	[bflag:$0x0] =	sbarrier.arrive $0xFFFF  }
0x51: {  	p0 =	sne.s32 s0, $0x0;
	_ =	strace $0x90000047  }
0x52: {  	s0 =	sadd.s32 @!p0 $0x100000, s1;
	[bflag:$0x2] =	sbarrier.arrive $0xFFFF  }
0x53: {  	[sflag:s0] =	ssyncadd.tile.s32 @!p0 $0x1;
	_ =	shalt  }
.Lfunc_end2:
_tile_overlayer_lowered:
.L_overlay_start_2:
0x54: {  	(tag) =	ssettag $0x2  }
0x55: {  	s0 =	rddreg [dreg:$0x0];
	s2 =	stileid.u32  }
0x56: {  	s1 =	rddreg [dreg:$0x1];
	p0 =	sne.s32 s2, $0x0  }
0x57: {  	s3 =	rddreg [dreg:$0x2];
	[bflag:$0x3] =	sbarrier.arrive $0xFFFF;
	s2 =	simm.s32 @!p0 $0x1C05  }
0x58: {  	[timem:s3], [sflag:s2] =	dma.local @!p0 [hbm:s0], s1  }
0x59: {  	s0 =	simm.s32 @!p0 $0x5  }
0x5a: {  	_ =	swait.ge @!p0 [sflag:s0], s1  }
0x5b: {  	s1 =	ssub.s32 @!p0 $0x0, s1;
	[sflag:s0] =	ssyncset.done @!p0 $0x0  }
0x5c: {  	[sflag:s0] =	ssyncadd.s32 @!p0 s1  }
0x5d: {  	[bflag:$0x3] =	sbarrier.arrive $0xFFFF  }
0x5e: {  	_ =	shalt  }

// kernel: kernel.9.cloned.1.call-start
scs
__scs_entry_jumppad:
0x0: {  	(pc) =	sbr.rel $0x88, $3  }
0x1: {  	(tag) =	ssettag $0x0;
	lr =	simm.s32 $0x1  }
0x2: {  	[smem:$0x3F9F] =	sst lr;
	_ =	strace $0xD0000000  }
0x3: {  	_ = 	snop  }
0x4: {  	_ = 	snop  }
0x5: {  	_ = 	snop  }
0x6: {  	_ = 	snop  }
0x7: {  	_ = 	snop  }
__scs_overlays_trampoline_lowered:
0x8: {  	[smem:$0x3FAE] =	sst s0  }
0x9: {  	[smem:$0x3FAF] =	sst s1  }
0xa: {  	[smem:$0x3FB0] =	sst s2  }
0xb: {  	[smem:$0x3FB1] =	sst s3  }
0xc: {  	[smem:$0x3FB2] =	sst s4  }
0xd: {  	[smem:$0x3FB3] =	sst s5  }
0xe: {  	[smem:$0x3FB4] =	sst s6  }
0xf: {  	[smem:$0x3FB5] =	sst s7  }
0x10: {  	[smem:$0x3FB6] =	sst s8  }
0x11: {  	[smem:$0x3FB7] =	sst s9;
	s0 =	simm.s32 @!p0 $0x0  }
0x12: {  	s1 =	sld [smem:$0x3F9D];
	s0 =	simm.s32 @p0 $0x1  }
0x13: {  	[smem:$0x3FB8] =	sst s0;
	s0 =	simm.s32 @!p1 $0x0  }
0x14: {  	s2 =	sld [smem:$0x3F9C];
	s0 =	simm.s32 @p1 $0x1  }
0x15: {  	[smem:$0x3FB9] =	sst s0;
	s0 =	simm.s32 @!p2 $0x0  }
0x16: {  	s3 =	sld [smem:$0x3FDB];
	s0 =	simm.s32 @p2 $0x1  }
0x17: {  	s4 =	simm.s32 $0x1BF5;
	[smem:$0x3FBB] =	sst s0  }
0x18: {  	s0 =	sld [smem:$0x3F9E];
	_ =	swait.ge [sflag:s4], $0x0  }
0x19: {  	s7 =	sld [smem:$0x3F9F]  }
0x1a: {  	s8 =	sadd.s32 $0xFFFFE003, lr  }
0x1b: {  	s9 =	sadd.s32 $0xFFFFFEF7, lr;
	s5 =	simm.s32 $0xFFFFFFFF;
	p2 =	slt.u32 s8, $0xFFFFF086  }
0x1c: {  	p1 =	slt.u32 s9, $0xF7A;
	s5 =	simm.s32 @!p2 $0x0  }
0x1d: {  	s5 =	simm.s32 @p1 $0x1;
	p0 =	seq.s32 s7, s2  }
0x1e: {  	s7 =	smul.u32 @!p0 $0xF7A, s2;
	p2 =	seq.s32 @!p0 s5, $0x0  }
0x1f: {  	s9 =	smul.u32 $0xF7A, s1;
	s8 =	simm.s32 @!p0 $0x1BF5;
	p2 =	por !p2, p0  }
0x20: {  	[sflag:s8] =	ssyncset.s32 @!p0 $0xFFFFF086;
	s6 =	sadd.s32 @!p0 s3, s7;
	s7 =	simm.s32 @!p0 $0x108  }
0x21: {  	s3 =	sadd.s32 s3, s9;
	s6 =	sadd.s32 @!p0 $0x88, s6;
	s7 =	simm.s32 @p2 $0x1082  }
0x22: {  	[simem:s7], [sflag:s8] =	dma.local @!p0 [hbm:s6], $0xF7A  }
0x23: {  	s9 =	sor.u32 $0xD0000000, s2;
	s6 =	simm.s32 $0x108;
	_ =	swait.ge @!p0 [sflag:s8], $0x0  }
0x24: {  	s3 =	sadd.s32 $0x88, s3;
	s6 =	simm.s32 @!p1 $0x1082;
	[sflag:s4] =	ssyncset.s32 $0xFFFFF086  }
0x25: {  	[simem:s6], [sflag:s4] =	dma.local [hbm:s3], $0xF7A  }
0x26: {  	[smem:$0x3F9F] =	sst s1;
	(tag) =	ssettag s2;
	_ =	strace s9  }
0x27: {  	s1 =	sld [smem:$0x3FAF]  }
0x28: {  	s2 =	sld [smem:$0x3FB0]  }
0x29: {  	s4 =	sld [smem:$0x3FB2]  }
0x2a: {  	p0 =	seq.s32 s5, $0x0;
	s5 =	sld [smem:$0x3FB3]  }
0x2b: {  	s6 =	sld [smem:$0x3FB4]  }
0x2c: {  	s7 =	sld [smem:$0x3FB5]  }
0x2d: {  	s3 =	simm.s32 $0x108;
	s8 =	sld [smem:$0x3FB6]  }
0x2e: {  	s3 =	simm.s32 @!p0 $0x1082;
	s9 =	sld [smem:$0x3FB7]  }
0x2f: {  	lr =	sadd.s32 s0, s3;
	s0 =	sld [smem:$0x3FAE]  }
0x30: {  	s3 =	sld [smem:$0x3FB1]  }
0x31: {  	[smem:$0x3FBA] =	sst s10  }
0x32: {  	s10 =	sld [smem:$0x3FB8];
	_ =	sdelay $0x3  }
0x33: {  	p0 =	seq.s32 s10, $0x1;
	s10 =	sld [smem:$0x3FBA];
	_ =	sdelay $0x3  }
0x34: {  	[smem:$0x3FBA] =	sst s10  }
0x35: {  	s10 =	sld [smem:$0x3FB9];
	_ =	sdelay $0x3  }
0x36: {  	p1 =	seq.s32 s10, $0x1;
	s10 =	sld [smem:$0x3FBA];
	_ =	sdelay $0x3  }
0x37: {  	[smem:$0x3FBA] =	sst s10  }
0x38: {  	s10 =	sld [smem:$0x3FBB]  }
0x39: {  	_ = 	snop;
	(pc) =	sbr.ind lr, $3  }
0x3a: {  	_ = 	snop  }
0x3b: {  	_ = 	snop  }
0x3c: {  	p2 =	seq.s32 s10, $0x1;
	s10 =	sld [smem:$0x3FBA]  }
0x3d: {  	_ =	shalt  }
0x3e: {  	_ =	shalt  }
0x3f: {  	_ =	shalt  }
0x40: {  	_ =	shalt  }
0x41: {  	_ =	shalt  }
0x42: {  	_ =	shalt  }
0x43: {  	_ =	shalt  }
0x44: {  	_ =	shalt  }
0x45: {  	_ =	shalt  }
0x46: {  	_ =	shalt  }
0x47: {  	_ =	shalt  }
0x48: {  	_ =	shalt  }
0x49: {  	_ =	shalt  }
0x4a: {  	_ =	shalt  }
0x4b: {  	_ =	shalt  }
0x4c: {  	_ =	shalt  }
0x4d: {  	_ =	shalt  }
0x4e: {  	_ =	shalt  }
0x4f: {  	_ =	shalt  }
0x50: {  	_ =	shalt  }
0x51: {  	_ =	shalt  }
0x52: {  	_ =	shalt  }
0x53: {  	_ =	shalt  }
0x54: {  	_ =	shalt  }
0x55: {  	_ =	shalt  }
0x56: {  	_ =	shalt  }
0x57: {  	_ =	shalt  }
0x58: {  	_ =	shalt  }
0x59: {  	_ =	shalt  }
0x5a: {  	_ =	shalt  }
0x5b: {  	_ =	shalt  }
0x5c: {  	_ =	shalt  }
0x5d: {  	_ =	shalt  }
0x5e: {  	_ =	shalt  }
0x5f: {  	_ =	shalt  }
0x60: {  	_ =	shalt  }
0x61: {  	_ =	shalt  }
0x62: {  	_ =	shalt  }
0x63: {  	_ =	shalt  }
0x64: {  	_ =	shalt  }
0x65: {  	_ =	shalt  }
0x66: {  	_ =	shalt  }
0x67: {  	_ =	shalt  }
0x68: {  	_ =	shalt  }
0x69: {  	_ =	shalt  }
0x6a: {  	_ =	shalt  }
0x6b: {  	_ =	shalt  }
0x6c: {  	_ =	shalt  }
0x6d: {  	_ =	shalt  }
0x6e: {  	_ =	shalt  }
0x6f: {  	_ =	shalt  }
0x70: {  	_ =	shalt  }
0x71: {  	_ =	shalt  }
0x72: {  	_ =	shalt  }
0x73: {  	_ =	shalt  }
0x74: {  	_ =	shalt  }
0x75: {  	_ =	shalt  }
0x76: {  	_ =	shalt  }
0x77: {  	_ =	shalt  }
0x78: {  	_ =	shalt  }
0x79: {  	_ =	shalt  }
0x7a: {  	_ =	shalt  }
0x7b: {  	_ =	shalt  }
0x7c: {  	_ =	shalt  }
0x7d: {  	_ =	shalt  }
0x7e: {  	_ =	shalt  }
0x7f: {  	_ =	shalt  }
0x80: {  	_ =	shalt  }
0x81: {  	_ =	shalt  }
0x82: {  	_ =	shalt  }
0x83: {  	_ =	shalt  }
0x84: {  	_ =	shalt  }
0x85: {  	_ =	shalt  }
0x86: {  	_ =	shalt  }
0x87: {  	_ =	shalt  }
.Lfunc_end0:
.L_simem_size_0:
called_computation.1_lowered:
.L_overlay_start_0:
0x88: {  	s2 =	sld [smem:$0x3FD9]  }
0x89: {  	s3 =	sld [smem:$0x3FFE];
	_ =	sdelay $0x1  }
0x8a: {  	s1 =	srdreg.scid  }
0x8b: {  	s0 =	sand.u32 $0x1, s1  }
0x8c: {  	s17 =	sshll.u32 s0, $0xA;
	s2 =	sadd.s32 s3, s2  }
0x8d: {  	s2 =	sadd.s32 s2, s17  }
0x8e: {  	[smem:$0x3FC6] =	sst s2  }
0x8f: {  	_ = 	snop  }
0x90: {  	(tm) =	ssettm $0x1  }
0x91: {  	s18 =	sld [smem:$0x3FFB];
	_ =	sdelay $0x3  }
0x92: {  	_ =	strace s18  }
0x93: {  	s2 =	sld [smem:$0x3FFC];
	_ =	sdelay $0x3  }
0x94: {  	_ =	strace s2  }
0x95: {  	s2 =	sld [smem:$0x3FFD];
	_ =	sdelay $0x3  }
0x96: {  	_ =	strace s2  }
0x97: {  	_ =	strace $0x8FFFFFFF  }
0x98: {  	s19 =	sld [smem:$0x3FDB];
	_ =	sdelay $0x1  }
0x99: {  	s20 =	simm.s32 $_scs_section_size  }
0x9a: {  	s4 =	simm.s32 $_size__tile_overlayer_lowered;
	s5 =	simm.s32 $_tile_overlayer_lowered  }
0x9b: {  	s6 =	simm.s32 $0x1BFF;
	s21 =	sshll.u32 s5, $0x1;
	s3 =	sadd.s32 s20, s19  }
0x9c: {  	s22 =	simm.s32 $0x0;
	s4 =	sshll.u32 s4, $0x1;
	s5 =	sadd.s32 s21, s3  }
0x9d: {  	[timem:s22], [sflag:s6] =	dma.local [hbm:s5], s4  }
0x9e: {  	_ =	swait.ge [sflag:s6], s4  }
0x9f: {  	s4 =	ssub.s32 $0x0, s4;
	[sflag:s6] =	ssyncset.done $0x0  }
0xa0: {  	[sflag:s6] =	ssyncadd.s32 s4;
	_ =	sdelay $0x1  }
0xa1: {  	s23 =	simm.s32 $0x1B8B  }
0xa2: {  	_ =	swait.ge [sflag:s23], $0x1  }
0xa3: {  	[sflag:s23] =	ssyncset.done $0x0  }
0xa4: {  	[sflag:s23] =	ssyncadd.s32 $0xFFFFFFFF  }
0xa5: {  	s4 =	sld [smem:$0x0]  }
0xa6: {  	s5 =	sand.u32 $0xFFFFFFFE, s1  }
0xa7: {  	p0 =	sne.s32 s1, s5  }
0xa8: {  	s5 =	sshll.u32 @p0 s5, $0xE  }
0xa9: {  	s5 =	sadd.s32 @p0 $0x11B8D, s5;
	s6 =	sshll.u32 @p0 s4, $0x11  }
0xaa: {  	s5 =	sor.u32 @p0 s6, s5  }
0xab: {  	[sflag:s5] =	ssyncadd.remote.s32 @p0 $0x1;
	_ =	sdelay $0x1  }
0xac: {  	s5 =	simm.s32 @p0 $0x1B8D  }
0xad: {  	_ =	swait.eq @p0 [sflag:s5], $0x1  }
0xae: {  	[sflag:s5] =	ssyncadd.s32 @p0 $0xFFFFFFFF  }
0xaf: {  	s6 =	sshll.u32 @!p0 s1, $0xE  }
0xb0: {  	s6 =	sor.u32 @!p0 $0x4000, s6;
	s5 =	simm.s32 @!p0 $0x1B8D  }
0xb1: {  	s4 =	sshll.u32 @!p0 s4, $0x11;
	s6 =	sadd.s32 @!p0 $0x11B8D, s6;
	_ =	swait.eq @!p0 [sflag:s5], $0x1  }
0xb2: {  	s4 =	sor.u32 @!p0 s4, s6;
	[sflag:s5] =	ssyncadd.s32 @!p0 $0xFFFFFFFF  }
0xb3: {  	s25 =	simm.s32 $0x1B8E;
	s24 =	sld [smem:$0x3FFE];
	[sflag:s4] =	ssyncadd.remote.s32 @!p0 $0x1  }
0xb4: {  	s26 =	simm.s32 $execute0_lowered;
	[smem:$0x3FD2] =	sst s25  }
0xb5: {  	s5 =	sshll.u32 s26, $0x1;
	_ =	strace $0x80000049;
	[dreg:$0x1] =	wrdreg $0xFFFFFFFF  }
0xb6: {  	s28 =	simm.s32 $_size_execute0_lowered;
	s3 =	sadd.s32 s3, s5;
	[dreg:$0x0] =	wrdreg $0x0  }
0xb7: {  	s5 =	sshll.u32 s28, $0x1;
	[dreg:$0x2] =	wrdreg s3  }
0xb8: {  	[dreg:$0x3] =	wrdreg s5  }
0xb9: {  	[dreg:$0x4] =	wrdreg $0xC0  }
0xba: {  	_ =	task [dreg:s22], $0x5FFFF  }
0xbb: {  	[dreg:$0x1] =	wrdreg $0xFFFFFFFF  }
0xbc: {  	[dreg:$0x0] =	wrdreg $0x60  }
0xbd: {  	[dreg:$0x2] =	wrdreg s24  }
0xbe: {  	[dreg:$0x3] =	wrdreg $0xA  }
0xbf: {  	_ =	task.clear_ibuf [dreg:s22], $0x4FFFF;
	_ =	strace $0x90000049  }
0xc0: {  	s29 =	simm.s32 $0xA;
	_ =	strace $0x8000004B  }
0xc1: {  	_ =	swait.ge [sflag:s29], $0x1  }
0xc2: {  	[sflag:s29] =	ssyncadd.s32 $0xFFFFFFFF  }
0xc3: {  	_ =	strace $0x9000004B  }
0xc4: {  	_ =	sfence  }
0xc5: {  	s30 =	sld [smem:$0x0];
	_ =	sdelay $0x2  }
0xc6: {  	s31 =	sshll.u32 s1, $0xD;
	s1 =	sshrl.u32 s1, $0x2  }
0xc7: {  	s4 =	sand.u32 $0x4000, s31;
	s1 =	sadd.s32 s1, s30  }
0xc8: {  	s0 =	sor.u32 s4, s0;
	s1 =	sshll.u32 s1, $0x11  }
0xc9: {  	s0 =	sor.u32 s1, s0  }
0xca: {  	s0 =	sadd.s32 $0x8F2B, s0  }
0xcb: {  	[sflag:s0] =	ssyncadd.remote.s32 $0x1  }
0xcc: {  	_ =	sfence.sel $0xFFFF  }
0xcd: {  	[dreg:$0x0] =	wrdreg $0xFFFFFFFF;
	(pc) =	sbr.abs _section_cstart, $3  }
0xce: {  	[dreg:$0x1] =	wrdreg $0xFFFFFFFF  }
0xcf: {  	_ =	task.clear_ibuf [dreg:s22], $0x2FFFF;
	_ =	strace $0x9FFFFFFF  }
0xd0: {  	(tm) =	ssettm $0x7FFFFFFF  }
0xd1: {  	_ =	shalt  }
tec
execute0_lowered:
.L_overlay_start_1:
0x0: {  	(tag) =	ssettag $0x1  }
0x1: {  	s1 =	srdreg.scid  }
0x2: {  	s0 =	stileid.u32;
	s9 =	rddreg [dreg:$0x0]  }
0x3: {  	s2 =	simm.s32 $0x0;
	s11 =	simm.s32 $0x5;
	s12 =	simm.s32 $0x320  }
0x4: {  	s13 =	simm.s32 $0x640;
	s14 =	simm.s32 $0x6A40;
	s15 =	simm.s32 $0x1  }
0x5: {  	s16 =	simm.s32 $0x20;
	s17 =	simm.s32 $0x80;
	s18 =	simm.s32 $0x2  }
0x6: {  	s19 =	simm.s32 $0x4;
	s6 =	sand.u32 $0x1, s1;
	s3 =	sshll.u32 s0, $0x1  }
0x7: {  	s20 =	simm.s32 $0x0;
	s1 =	rddreg [dreg:$0x1];
	s3 =	sor.u32 s6, s3  }
0x8: {  	[smem:$0x7FF] =	sst s2;
	s4 =	sadd.s32 $0x1200, s9;
	s3 =	smul.u32 $0x1900, s3  }
0x9: {  	s5 =	sadd.s32 $0xF43600, s9;
	_ =	strace $0x8000004A;
	s7 =	ssub.s32 $0x2, s6  }
0xa: {  	s6 =	sadd.s32 $0x33A200, s9;
	s10 =	sshrl.u32 s7, $0x1;
	s8 =	sshrl.u32 s3, $0x3  }
0xb: {  	s9 =	sadd.s32 $0x33D400, s9;
	s10 =	ssub.s32 s7, s10;
	s8 =	sadd.s32 s4, s8  }
0xc: {  	s10 =	smax.u32 s10, $0x1;
	s7 =	sadd.s32 $0x6400, s8;
	s8 =	sadd.s32 $0x32640, s3  }
.LBB2_1:
0xd: {  	[tilespmem:s2], [sflag:$0x5] =	stream.linear.gather [hbm4b:s7+s2], $0x320, $0x38;
	[tilespmem:$0xCE40] =	vst v63  }
0xe: {  	_ =	swait.ge [sflag:s11], $0x320  }
0xf: {  	[sflag:s11] =	ssyncset.done $0x0  }
0x10: {  	s21 =	simm.s32 $0x0;
	[sflag:s11] =	ssyncadd.s32 $0xFFFFFCE0  }
0x11: {  	[tilespmem:s13], [sflag:$0x1] =	stream.indirect.gather [hbm4b:s5+s12], $0x20, s2, s12, $0xb8;
	[tilespmem:$0xCE40] =	vst v63  }
.LBB2_2:
0x12: {  	s23 =	smul.u32 $0x640, s21;
	_ =	sdelay $0x1  }
0x13: {  	s22 =	sadd.s32 s3, s23  }
0x14: {  	s24 =	sshrl.u32 s22, $0x3  }
0x15: {  	s24 =	sadd.s32 s4, s24  }
0x16: {  	s25 =	simm.s32 $0x0;
	s24 =	sadd.s32 $0x6464, s24  }
0x17: {  	[tilespmem:s12], [sflag:$0x5] =	stream.linear.gather [hbm4b:s24+s25], $0x320, $0x38;
	[tilespmem:$0xCE40] =	vst v63  }
0x18: {  	_ =	swait.ge [sflag:s11], $0x320  }
0x19: {  	[sflag:s11] =	ssyncset.done $0x0  }
0x1a: {  	[sflag:s11] =	ssyncadd.s32 $0xFFFFFCE0  }
0x1b: {  	[tilespmem:s14], [sflag:$0x2] =	stream.indirect.gather [hbm4b:s5+s12], $0x20, s12, s12, $0xb8;
	[tilespmem:$0xCE40] =	vst v63  }
0x1c: {  	_ =	swait.ge [sflag:s15], $0x6400  }
0x1d: {  	[sflag:s15] =	ssyncset.done $0x0  }
0x1e: {  	s24 =	simm.s32 $0x0;
	[sflag:s15] =	ssyncadd.s32 $0xFFFF9C00  }
0x1f: {  	s25 =	simm.s32 $0x80;
	v0 =	vld [tilespmem:s24+$0x640]  }
.LBB2_3:
0x20: {  	p0 =	sne.s32 s25, $0x18F80;
	v1 =	vld [tilespmem:s24+$0x650];
	_ =	sdelay $0x2  }
.Ltmp0:
0x21: {  	(pc) =	sbr.rel @p0 .LBB2_3-.Ltmp0, $4  }
0x22: {  	v0 =	vmul.f32 $5.656854150e+00, v0  }
0x23: {  	v1 =	vmul.f32 $5.656854150e+00, v1  }
0x24: {  	s26 =	sshra.s32 s25, $0x2;
	[tilespmem:s24+$0x640] =	vst v0  }
0x25: {  	s25 =	sadd.s32 $0x80, s25;
	v0 =	vld [tilespmem:s26+$0x640];
	[tilespmem:s24+$0x650] =	vst v1;
	s24 =	smov.u32 s26  }
0x26: {  	v1 =	vld [tilespmem:s24+$0x650];
	_ =	sdelay $0x3  }
0x27: {  	v0 =	vmul.f32 $5.656854150e+00, v0  }
0x28: {  	v1 =	vmul.f32 $5.656854150e+00, v1  }
0x29: {  	s22 =	sshll.u32 s22, $0x4;
	p0 =	seq.s32 s21, $0x3;
	[tilespmem:s24+$0x640] =	vst v0  }
0x2a: {  	s31 =	sadd.s32 s6, s22;
	[tilespmem:s24+$0x650] =	vst v1;
	s24 =	simm.s32 @p0 $0x3  }
0x2b: {  	[hbm4b:s31+s16] =	stream.strided.scatter [tilespmem:s13], [sflag:$0x3], $0x6400, s17, s16, $0x38;
	[tilespmem:$0xCE40] =	vst v63  }
0x2c: {  	s23 =	sadd.s32 @!p0 s23, s8;
	_ =	swait.ge @p0 [sflag:s24], $0x6400  }
0x2d: {  	s23 =	sshrl.u32 @!p0 s23, $0x3;
	[sflag:s24] =	ssyncset.done @p0 $0x0  }
0x2e: {  	s23 =	sadd.s32 @!p0 s4, s23;
	[sflag:s24] =	ssyncadd.s32 @p0 $0xFFFF9C00;
	s24 =	simm.s32 @!p0 $0x0  }
0x2f: {  	[tilespmem:s24], [sflag:$0x5] =	stream.linear.gather @!p0 [hbm4b:s23+s24], $0x320, $0x38;
	[tilespmem:$0xCE40] =	vst v63  }
0x30: {  	s23 =	simm.s32 @!p0 $0x5  }
0x31: {  	_ =	swait.ge @!p0 [sflag:s23], $0x320  }
0x32: {  	[sflag:s23] =	ssyncset.done @!p0 $0x0  }
0x33: {  	[sflag:s23] =	ssyncadd.s32 @!p0 $0xFFFFFCE0;
	s23 =	simm.s32 @!p0 $0x3  }
0x34: {  	_ =	swait.ge @!p0 [sflag:s23], $0x6400  }
0x35: {  	[sflag:s23] =	ssyncset.done @!p0 $0x0  }
0x36: {  	s25 =	simm.s32 @!p0 $0x640;
	[sflag:s23] =	ssyncadd.s32 @!p0 $0xFFFF9C00;
	s23 =	simm.s32 @!p0 $0x320  }
0x37: {  	[tilespmem:s25], [sflag:$0x1] =	stream.indirect.gather @!p0 [hbm4b:s5+s23], $0x20, s24, s23, $0xb8;
	[tilespmem:$0xCE40] =	vst v63  }
0x38: {  	_ =	swait.ge [sflag:s18], $0x6400  }
0x39: {  	[sflag:s18] =	ssyncset.done $0x0  }
0x3a: {  	s23 =	simm.s32 $0x0;
	[sflag:s18] =	ssyncadd.s32 $0xFFFF9C00  }
0x3b: {  	s24 =	simm.s32 $0x80;
	v0 =	vld [tilespmem:s23+$0x6A40]  }
.LBB2_5:
0x3c: {  	p0 =	sne.s32 s24, $0x18F80;
	v1 =	vld [tilespmem:s23+$0x6A50];
	_ =	sdelay $0x2  }
.Ltmp1:
0x3d: {  	(pc) =	sbr.rel @p0 .LBB2_5-.Ltmp1, $4  }
0x3e: {  	v0 =	vmul.f32 $5.656854150e+00, v0  }
0x3f: {  	v1 =	vmul.f32 $5.656854150e+00, v1  }
0x40: {  	s25 =	sshra.s32 s24, $0x2;
	[tilespmem:s23+$0x6A40] =	vst v0  }
0x41: {  	s24 =	sadd.s32 $0x80, s24;
	v0 =	vld [tilespmem:s25+$0x6A40];
	[tilespmem:s23+$0x6A50] =	vst v1;
	s23 =	smov.u32 s25  }
0x42: {  	v1 =	vld [tilespmem:s23+$0x6A50];
	_ =	sdelay $0x3  }
0x43: {  	v0 =	vmul.f32 $5.656854150e+00, v0  }
0x44: {  	s21 =	sadd.s32 $0x1, s21;
	v1 =	vmul.f32 $5.656854150e+00, v1  }
0x45: {  	p0 =	sne.s32 s21, $0x4;
	[tilespmem:s23+$0x6A40] =	vst v0  }
.Ltmp2:
0x46: {  	s22 =	sadd.s32 s22, s9;
	[tilespmem:s23+$0x6A50] =	vst v1;
	(pc) =	sbr.rel @p0 .LBB2_2-.Ltmp2, $4  }
0x47: {  	[hbm4b:s22+s16] =	stream.strided.scatter [tilespmem:s14], [sflag:$0x4], $0x6400, s17, s16, $0x38;
	[tilespmem:$0xCE40] =	vst v63  }
0x48: {  	_ =	swait.ge [sflag:s19], $0x6400  }
0x49: {  	[sflag:s19] =	ssyncset.done $0x0  }
0x4a: {  	[sflag:s19] =	ssyncadd.s32 $0xFFFF9C00  }
0x4b: {  	s20 =	sadd.s32 $0x1, s20  }
0x4c: {  	p0 =	sne.s32 s20, s10  }
.Ltmp3:
0x4d: {  	_ = 	snop;
	(pc) =	sbr.rel @p0 .LBB2_1-.Ltmp3, $1  }
0x4e: {  	_ =	sdelay $0x3  }
0x4f: {  	_ =	sfence.sel $0x180000  }
0x50: {  	[bflag:$0x0] =	sbarrier.arrive $0xFFFF  }
0x51: {  	p0 =	sne.s32 s0, $0x0;
	_ =	strace $0x9000004A  }
0x52: {  	s0 =	sadd.s32 @!p0 $0x100000, s1;
	[bflag:$0x2] =	sbarrier.arrive $0xFFFF  }
0x53: {  	[sflag:s0] =	ssyncadd.tile.s32 @!p0 $0x1;
	_ =	shalt  }
.Lfunc_end2:
_tile_overlayer_lowered:
.L_overlay_start_2:
0x54: {  	(tag) =	ssettag $0x2  }
0x55: {  	s0 =	rddreg [dreg:$0x0];
	s2 =	stileid.u32  }
0x56: {  	s1 =	rddreg [dreg:$0x1];
	p0 =	sne.s32 s2, $0x0  }
0x57: {  	s3 =	rddreg [dreg:$0x2];
	[bflag:$0x3] =	sbarrier.arrive $0xFFFF;
	s2 =	simm.s32 @!p0 $0x1C05  }
0x58: {  	[timem:s3], [sflag:s2] =	dma.local @!p0 [hbm:s0], s1  }
0x59: {  	s0 =	simm.s32 @!p0 $0x5  }
0x5a: {  	_ =	swait.ge @!p0 [sflag:s0], s1  }
0x5b: {  	s1 =	ssub.s32 @!p0 $0x0, s1;
	[sflag:s0] =	ssyncset.done @!p0 $0x0  }
0x5c: {  	[sflag:s0] =	ssyncadd.s32 @!p0 s1  }
0x5d: {  	[bflag:$0x3] =	sbarrier.arrive $0xFFFF  }
0x5e: {  	_ =	shalt  }

</sc_bundles>
